<compile_context>
chip_gen: v7x
topology: tpu7x:2x2x1
jax: 0.10.2.dev20260603
libtpu: 0.0.44.dev20260713+nightly
codegen_flags: <defaults>
</compile_context>

<pallas_src>
import functools
import math

import jax
import jax.numpy as jnp
from jax import lax
from jax.experimental import pallas as pl
from jax.experimental.pallas import tpu as pltpu
from jax.experimental.pallas import tpu_sc as plsc

S = 64.0
M = 0.5
COS_M = math.cos(M)
SIN_M = math.sin(M)

_CH = 20000
_UNROLL = 10


def _newton_sqrt(x):
    y = 0.5 * (x + 1.0)
    for _ in range(22):
        y = 0.5 * (y + x / y)
    return y


def _make_sc_kernel(B, C):
    info = plsc.get_sparse_core_info()
    NC, NS = info.num_cores, info.num_subcores
    NW = NC * NS
    rows_pw = B // NW
    elems_pw = rows_pw * C
    nch = elems_pw // _CH
    assert elems_pw % _CH == 0 and nch % 2 == 0 and _CH % (16 * _UNROLL) == 0
    n_vec = _CH // 16

    mesh = plsc.VectorSubcoreMesh(core_axis_name="c", subcore_axis_name="s")

    @functools.partial(
        pl.kernel,
        mesh=mesh,
        out_type=jax.ShapeDtypeStruct((B * C,), jnp.float32),
        scratch_types=[
            pltpu.VMEM((_CH,), jnp.float32),
            pltpu.VMEM((_CH,), jnp.float32),
            pltpu.VMEM((_CH,), jnp.float32),
            pltpu.VMEM((_CH,), jnp.float32),
            pltpu.VMEM((rows_pw,), jnp.int32),
            pltpu.VMEM((rows_pw,), jnp.int32),
            pltpu.VMEM((rows_pw,), jnp.float32),
            pltpu.SemaphoreType.DMA,
            pltpu.SemaphoreType.DMA,
            pltpu.SemaphoreType.DMA,
            pltpu.SemaphoreType.DMA,
            pltpu.SemaphoreType.DMA,
        ],
    )
    def sc_kernel(cos_hbm, lab_hbm, out_hbm,
                  ibuf0, ibuf1, obuf0, obuf1, lbuf, fbuf, vbuf,
                  isem0, isem1, osem0, osem1, gsem):
        wid = lax.axis_index("s") * NC + lax.axis_index("c")
        base = wid * elems_pw
        ibufs = (ibuf0, ibuf1)
        obufs = (obuf0, obuf1)
        isems = (isem0, isem1)
        osems = (osem0, osem1)

        pltpu.async_copy(cos_hbm.at[pl.ds(base, _CH)], ibuf0, isem0)
        pltpu.async_copy(cos_hbm.at[pl.ds(base + _CH, _CH)], ibuf1, isem1)

        def round_(p, _):
            for b in range(2):
                k = p * 2 + b
                off = base + k * _CH
                ib, ob = ibufs[b], obufs[b]
                pltpu.make_async_copy(cos_hbm.at[pl.ds(base, _CH)], ib,
                                      isems[b]).wait()
                @pl.when(k >= 2)
                def _():
                    pltpu.make_async_copy(ob, out_hbm.at[pl.ds(base, _CH)],
                                          osems[b]).wait()

                def scale_body(i, _):
                    for u in range(_UNROLL):
                        s = i * (_UNROLL * 16) + u * 16
                        ob[pl.ds(s, 16)] = ib[pl.ds(s, 16)] * S
                    return 0

                lax.fori_loop(0, n_vec // _UNROLL, scale_body, 0,
                              unroll=False)
                @pl.when(k + 2 < nch)
                def _():
                    pltpu.async_copy(
                        cos_hbm.at[pl.ds(off + 2 * _CH, _CH)], ib, isems[b])
                pltpu.async_copy(ob, out_hbm.at[pl.ds(off, _CH)], osems[b])
            return 0

        lax.fori_loop(0, nch // 2, round_, 0, unroll=False)
        pltpu.make_async_copy(obuf0, out_hbm.at[pl.ds(base, _CH)], osem0).wait()
        pltpu.make_async_copy(obuf1, out_hbm.at[pl.ds(base, _CH)], osem1).wait()

        row0 = wid * rows_pw
        pltpu.sync_copy(lab_hbm.at[pl.ds(row0, rows_pw)], lbuf)
        for t in range(rows_pw // 16):
            lab16 = lbuf[pl.ds(t * 16, 16)]
            rows = row0 + t * 16 + lax.iota(jnp.int32, 16)
            fbuf[pl.ds(t * 16, 16)] = rows * C + lab16
        pltpu.async_copy(cos_hbm.at[fbuf], vbuf, gsem).wait()
        for t in range(rows_pw // 16):
            c = vbuf[pl.ds(t * 16, 16)]
            root = _newton_sqrt(jnp.maximum(1.0 - c * c, 1e-30))
            vbuf[pl.ds(t * 16, 16)] = (c * COS_M - root * SIN_M) * S
        pltpu.async_copy(vbuf, out_hbm.at[fbuf], gsem).wait()

    return sc_kernel


def kernel(cosine, label):
    B, C = cosine.shape
    out_flat = _make_sc_kernel(B, C)(cosine.reshape(B * C), label)
    return out_flat.reshape(B, C)

# --- scband reference (transcript-rebuilt; emitter-appended) ---
"""Pipeline reference for scband-arc-face-83064667505014 (READ-ONLY COPY).

The authoritative reference and input builder live on the scoring server;
editing this copy changes nothing except your own understanding.
"""

import jax, jax.numpy as jnp
import numpy as np

S = 64.0
M = 0.5
B = 1024
C = 100000

def setup_inputs(seed: int = 0) -> dict:
    key = jax.random.key(seed)
    k1, k2 = jax.random.split(key)
    # cosine similarities must lie in acos domain [-1, 1]; rand gives [0, 1)
    cosine = jax.random.uniform(k1, (B, C), dtype=jnp.float32)
    label = jax.random.randint(k2, (B,), 0, C, dtype=jnp.int32)
    return {"cosine": cosine, "label": label}

def reference(cosine, label):
    # index = torch.where(label != -1)[0]
    mask = label != -1
    n = label.shape[0]
    # m_hot = zeros(n, C).scatter(1, label[index, None], m)
    m_hot = jnp.zeros((n, cosine.shape[1]), dtype=cosine.dtype)
    m_hot = m_hot.at[jnp.arange(n), label].set(M)
    m_hot = jnp.where(mask[:, None], m_hot, jnp.zeros((), dtype=cosine.dtype))
    # theta = acos(cosine); theta[index] += m_hot
    theta = jnp.arccos(cosine)
    theta = theta + m_hot
    # out = cos(theta) * s
    out = jnp.cos(theta) * S
    return out

if __name__ == "__main__":
    import jax
    _d = setup_inputs()
    print(jax.jit(kernel)(*tuple(_d.values())))

</pallas_src>

<mosaic_0001>
#map = affine_map<(d0, d1) -> (0)>
module attributes {stable_mosaic.version = 14 : i64} {
  func.func @sc_kernel(%arg0: i32, %arg1: i32, %arg2: memref<102400000xf32, #tpu.memory_space<hbm>>, %arg3: memref<1024xi32, #tpu.memory_space<hbm>>, %arg4: memref<102400000xf32, #tpu.memory_space<hbm>>, %arg5: memref<20000xf32, #tpu.memory_space<vmem>>, %arg6: memref<20000xf32, #tpu.memory_space<vmem>>, %arg7: memref<20000xf32, #tpu.memory_space<vmem>>, %arg8: memref<20000xf32, #tpu.memory_space<vmem>>, %arg9: memref<32xi32, #tpu.memory_space<vmem>>, %arg10: memref<32xi32, #tpu.memory_space<vmem>>, %arg11: memref<32xf32, #tpu.memory_space<vmem>>, %arg12: memref<!tpu.dma_semaphore, #tpu.memory_space<semaphore_mem>>, %arg13: memref<!tpu.dma_semaphore, #tpu.memory_space<semaphore_mem>>, %arg14: memref<!tpu.dma_semaphore, #tpu.memory_space<semaphore_mem>>, %arg15: memref<!tpu.dma_semaphore, #tpu.memory_space<semaphore_mem>>, %arg16: memref<!tpu.dma_semaphore, #tpu.memory_space<semaphore_mem>>) attributes {dimension_semantics = [#tpu.dimension_semantics<core_parallel>, #tpu.dimension_semantics<subcore_parallel>], iteration_bounds = array<i64: 2, 16>, scalar_prefetch = 0 : i64, scratch_operands = 12 : i64, tpu.core_type = #tpu.core_type<sc_vector_subcore>, window_params = [{transform_indices = #map}, {transform_indices = #map}, {transform_indices = #map}]} {
    %mul3A = arith.constant 2 : i32
    %mul3A_0 = arith.muli %arg1, %mul3A : i32
    %add3A = arith.addi %mul3A_0, %arg0 : i32
    %mul3A_1 = arith.constant 3200000 : i32
    %mul3A_2 = arith.muli %add3A, %mul3A_1 : i32
    %dma_start3A = tpu.memref_slice %arg2[%mul3A_2] : memref<102400000xf32, #tpu.memory_space<hbm>> -> memref<20000xf32, #tpu.memory_space<hbm>>
    %dma_start3A_3 = tpu.memref_slice %arg2[%mul3A_2] : memref<102400000xf32, #tpu.memory_space<hbm>> -> memref<20000xf32, #tpu.memory_space<hbm>>
    tpu.enqueue_dma source(%dma_start3A_3 : memref<20000xf32, #tpu.memory_space<hbm>>) target(%arg5 : memref<20000xf32, #tpu.memory_space<vmem>>) target_semaphore(%arg12 : memref<!tpu.dma_semaphore, #tpu.memory_space<semaphore_mem>>)
    %add3A_4 = arith.constant 20000 : i32
    %add3A_5 = arith.addi %mul3A_2, %add3A_4 : i32
    %dma_start3A_6 = tpu.memref_slice %arg2[%add3A_5] : memref<102400000xf32, #tpu.memory_space<hbm>> -> memref<20000xf32, #tpu.memory_space<hbm>>
    %dma_start3A_7 = tpu.memref_slice %arg2[%add3A_5] : memref<102400000xf32, #tpu.memory_space<hbm>> -> memref<20000xf32, #tpu.memory_space<hbm>>
    tpu.enqueue_dma source(%dma_start3A_7 : memref<20000xf32, #tpu.memory_space<hbm>>) target(%arg6 : memref<20000xf32, #tpu.memory_space<vmem>>) target_semaphore(%arg13 : memref<!tpu.dma_semaphore, #tpu.memory_space<semaphore_mem>>)
    %scan3A = arith.constant 0 : i32
    %scan3A_8 = arith.constant 0 : i32
    %scan3A_9 = arith.constant 80 : i32
    %scan3A_10 = arith.addi %scan3A_8, %scan3A_9 : i32
    %scan3A_11 = arith.constant 1 : i32
    %scan3A_12 = scf.for %scan3A_333 = %scan3A_8 to %scan3A_10 step %scan3A_11 iter_args(%scan3A_334 = %scan3A) -> (i32)  : i32 {
      %mul3A_335 = arith.constant 2 : i32
      %mul3A_336 = arith.muli %scan3A_333, %mul3A_335 : i32
      %add3A_337 = arith.constant 0 : i32
      %add3A_338 = arith.addi %mul3A_336, %add3A_337 : i32
      %mul3A_339 = arith.constant 20000 : i32
      %mul3A_340 = arith.muli %add3A_338, %mul3A_339 : i32
      %add3A_341 = arith.addi %mul3A_2, %mul3A_340 : i32
      %dma_wait3A_342 = tpu.memref_slice %arg2[%mul3A_2] : memref<102400000xf32, #tpu.memory_space<hbm>> -> memref<20000xf32, #tpu.memory_space<hbm>>
      %dma_wait3A_343 = tpu.memref_slice %arg2[%mul3A_2] : memref<102400000xf32, #tpu.memory_space<hbm>> -> memref<20000xf32, #tpu.memory_space<hbm>>
      tpu.wait_dma2 semaphore(%arg12 : memref<!tpu.dma_semaphore, #tpu.memory_space<semaphore_mem>>) src(%dma_wait3A_343 : memref<20000xf32, #tpu.memory_space<hbm>>) dst(%arg5 : memref<20000xf32, #tpu.memory_space<vmem>>)
      %ge3A = arith.constant 2 : i32
      %ge3A_344 = arith.cmpi sge, %add3A_338, %ge3A : i32
      %convert_element_type3A = arith.extui %ge3A_344 : i1 to i32
      %cond3A = arith.constant 0 : i32
      %cond3A_345 = arith.cmpi ne, %convert_element_type3A, %cond3A : i32
      scf.if %cond3A_345 {
        %dma_wait3A_392 = tpu.memref_slice %arg4[%mul3A_2] : memref<102400000xf32, #tpu.memory_space<hbm>> -> memref<20000xf32, #tpu.memory_space<hbm>>
        %dma_wait3A_393 = tpu.memref_slice %arg4[%mul3A_2] : memref<102400000xf32, #tpu.memory_space<hbm>> -> memref<20000xf32, #tpu.memory_space<hbm>>
        tpu.wait_dma2 semaphore(%arg14 : memref<!tpu.dma_semaphore, #tpu.memory_space<semaphore_mem>>) src(%arg7 : memref<20000xf32, #tpu.memory_space<vmem>>) dst(%dma_wait3A_393 : memref<20000xf32, #tpu.memory_space<hbm>>)
      } else {
      }
      %scan3A_346 = arith.constant 0 : i32
      %scan3A_347 = arith.constant 0 : i32
      %scan3A_348 = arith.constant 125 : i32
      %scan3A_349 = arith.addi %scan3A_347, %scan3A_348 : i32
      %scan3A_350 = arith.constant 1 : i32
      %scan3A_351 = scf.for %scan3A_392 = %scan3A_347 to %scan3A_349 step %scan3A_350 iter_args(%scan3A_393 = %scan3A_346) -> (i32)  : i32 {
        %mul3A_394 = arith.constant 160 : i32
        %mul3A_395 = arith.muli %scan3A_392, %mul3A_394 : i32
        %add3A_396 = arith.constant 0 : i32
        %add3A_397 = arith.addi %mul3A_395, %add3A_396 : i32
        %get3A_398 = arith.index_cast %add3A_397 : i32 to index
        %get3A_399 = tpu.vector_load %arg5[%get3A_398] {strides = array<i32>} : memref<20000xf32, #tpu.memory_space<vmem>>, vector<16xf32>,
        %get3A_400 = vector.shape_cast %get3A_399 : vector<16xf32> to vector<16xf32>
        %mul3A_401 = arith.constant 6.400000e+01 : f32
        %mul3A_402 = vector.broadcast %mul3A_401 : f32 to vector<16xf32>
        %mul3A_403 = arith.mulf %get3A_400, %mul3A_402 : vector<16xf32>
        %swap3A_404 = arith.index_cast %add3A_397 : i32 to index
        %swap3A_405 = tpu.vector_load %arg7[%swap3A_404] {strides = array<i32>} : memref<20000xf32, #tpu.memory_space<vmem>>, vector<16xf32>,
        %swap3A_406 = vector.shape_cast %swap3A_405 : vector<16xf32> to vector<16xf32>
        %swap3A_407 = vector.shape_cast %mul3A_403 : vector<16xf32> to vector<16xf32>
        tpu.vector_store %arg7[%swap3A_404], %swap3A_407 {strides = array<i32>} : memref<20000xf32, #tpu.memory_space<vmem>>, vector<16xf32>,
        %mul3A_408 = arith.constant 160 : i32
        %mul3A_409 = arith.muli %scan3A_392, %mul3A_408 : i32
        %add3A_410 = arith.constant 16 : i32
        %add3A_411 = arith.addi %mul3A_409, %add3A_410 : i32
        %get3A_412 = arith.index_cast %add3A_411 : i32 to index
        %get3A_413 = tpu.vector_load %arg5[%get3A_412] {strides = array<i32>} : memref<20000xf32, #tpu.memory_space<vmem>>, vector<16xf32>,
        %get3A_414 = vector.shape_cast %get3A_413 : vector<16xf32> to vector<16xf32>
        %mul3A_415 = arith.constant 6.400000e+01 : f32
        %mul3A_416 = vector.broadcast %mul3A_415 : f32 to vector<16xf32>
        %mul3A_417 = arith.mulf %get3A_414, %mul3A_416 : vector<16xf32>
        %swap3A_418 = arith.index_cast %add3A_411 : i32 to index
        %swap3A_419 = tpu.vector_load %arg7[%swap3A_418] {strides = array<i32>} : memref<20000xf32, #tpu.memory_space<vmem>>, vector<16xf32>,
        %swap3A_420 = vector.shape_cast %swap3A_419 : vector<16xf32> to vector<16xf32>
        %swap3A_421 = vector.shape_cast %mul3A_417 : vector<16xf32> to vector<16xf32>
        tpu.vector_store %arg7[%swap3A_418], %swap3A_421 {strides = array<i32>} : memref<20000xf32, #tpu.memory_space<vmem>>, vector<16xf32>,
        %mul3A_422 = arith.constant 160 : i32
        %mul3A_423 = arith.muli %scan3A_392, %mul3A_422 : i32
        %add3A_424 = arith.constant 32 : i32
        %add3A_425 = arith.addi %mul3A_423, %add3A_424 : i32
        %get3A_426 = arith.index_cast %add3A_425 : i32 to index
        %get3A_427 = tpu.vector_load %arg5[%get3A_426] {strides = array<i32>} : memref<20000xf32, #tpu.memory_space<vmem>>, vector<16xf32>,
        %get3A_428 = vector.shape_cast %get3A_427 : vector<16xf32> to vector<16xf32>
        %mul3A_429 = arith.constant 6.400000e+01 : f32
        %mul3A_430 = vector.broadcast %mul3A_429 : f32 to vector<16xf32>
        %mul3A_431 = arith.mulf %get3A_428, %mul3A_430 : vector<16xf32>
        %swap3A_432 = arith.index_cast %add3A_425 : i32 to index
        %swap3A_433 = tpu.vector_load %arg7[%swap3A_432] {strides = array<i32>} : memref<20000xf32, #tpu.memory_space<vmem>>, vector<16xf32>,
        %swap3A_434 = vector.shape_cast %swap3A_433 : vector<16xf32> to vector<16xf32>
        %swap3A_435 = vector.shape_cast %mul3A_431 : vector<16xf32> to vector<16xf32>
        tpu.vector_store %arg7[%swap3A_432], %swap3A_435 {strides = array<i32>} : memref<20000xf32, #tpu.memory_space<vmem>>, vector<16xf32>,
        %mul3A_436 = arith.constant 160 : i32
        %mul3A_437 = arith.muli %scan3A_392, %mul3A_436 : i32
        %add3A_438 = arith.constant 48 : i32
        %add3A_439 = arith.addi %mul3A_437, %add3A_438 : i32
        %get3A_440 = arith.index_cast %add3A_439 : i32 to index
        %get3A_441 = tpu.vector_load %arg5[%get3A_440] {strides = array<i32>} : memref<20000xf32, #tpu.memory_space<vmem>>, vector<16xf32>,
        %get3A_442 = vector.shape_cast %get3A_441 : vector<16xf32> to vector<16xf32>
        %mul3A_443 = arith.constant 6.400000e+01 : f32
        %mul3A_444 = vector.broadcast %mul3A_443 : f32 to vector<16xf32>
        %mul3A_445 = arith.mulf %get3A_442, %mul3A_444 : vector<16xf32>
        %swap3A_446 = arith.index_cast %add3A_439 : i32 to index
        %swap3A_447 = tpu.vector_load %arg7[%swap3A_446] {strides = array<i32>} : memref<20000xf32, #tpu.memory_space<vmem>>, vector<16xf32>,
        %swap3A_448 = vector.shape_cast %swap3A_447 : vector<16xf32> to vector<16xf32>
        %swap3A_449 = vector.shape_cast %mul3A_445 : vector<16xf32> to vector<16xf32>
        tpu.vector_store %arg7[%swap3A_446], %swap3A_449 {strides = array<i32>} : memref<20000xf32, #tpu.memory_space<vmem>>, vector<16xf32>,
        %mul3A_450 = arith.constant 160 : i32
        %mul3A_451 = arith.muli %scan3A_392, %mul3A_450 : i32
        %add3A_452 = arith.constant 64 : i32
        %add3A_453 = arith.addi %mul3A_451, %add3A_452 : i32
        %get3A_454 = arith.index_cast %add3A_453 : i32 to index
        %get3A_455 = tpu.vector_load %arg5[%get3A_454] {strides = array<i32>} : memref<20000xf32, #tpu.memory_space<vmem>>, vector<16xf32>,
        %get3A_456 = vector.shape_cast %get3A_455 : vector<16xf32> to vector<16xf32>
        %mul3A_457 = arith.constant 6.400000e+01 : f32
        %mul3A_458 = vector.broadcast %mul3A_457 : f32 to vector<16xf32>
        %mul3A_459 = arith.mulf %get3A_456, %mul3A_458 : vector<16xf32>
        %swap3A_460 = arith.index_cast %add3A_453 : i32 to index
        %swap3A_461 = tpu.vector_load %arg7[%swap3A_460] {strides = array<i32>} : memref<20000xf32, #tpu.memory_space<vmem>>, vector<16xf32>,
        %swap3A_462 = vector.shape_cast %swap3A_461 : vector<16xf32> to vector<16xf32>
        %swap3A_463 = vector.shape_cast %mul3A_459 : vector<16xf32> to vector<16xf32>
        tpu.vector_store %arg7[%swap3A_460], %swap3A_463 {strides = array<i32>} : memref<20000xf32, #tpu.memory_space<vmem>>, vector<16xf32>,
        %mul3A_464 = arith.constant 160 : i32
        %mul3A_465 = arith.muli %scan3A_392, %mul3A_464 : i32
        %add3A_466 = arith.constant 80 : i32
        %add3A_467 = arith.addi %mul3A_465, %add3A_466 : i32
        %get3A_468 = arith.index_cast %add3A_467 : i32 to index
        %get3A_469 = tpu.vector_load %arg5[%get3A_468] {strides = array<i32>} : memref<20000xf32, #tpu.memory_space<vmem>>, vector<16xf32>,
        %get3A_470 = vector.shape_cast %get3A_469 : vector<16xf32> to vector<16xf32>
        %mul3A_471 = arith.constant 6.400000e+01 : f32
        %mul3A_472 = vector.broadcast %mul3A_471 : f32 to vector<16xf32>
        %mul3A_473 = arith.mulf %get3A_470, %mul3A_472 : vector<16xf32>
        %swap3A_474 = arith.index_cast %add3A_467 : i32 to index
        %swap3A_475 = tpu.vector_load %arg7[%swap3A_474] {strides = array<i32>} : memref<20000xf32, #tpu.memory_space<vmem>>, vector<16xf32>,
        %swap3A_476 = vector.shape_cast %swap3A_475 : vector<16xf32> to vector<16xf32>
        %swap3A_477 = vector.shape_cast %mul3A_473 : vector<16xf32> to vector<16xf32>
        tpu.vector_store %arg7[%swap3A_474], %swap3A_477 {strides = array<i32>} : memref<20000xf32, #tpu.memory_space<vmem>>, vector<16xf32>,
        %mul3A_478 = arith.constant 160 : i32
        %mul3A_479 = arith.muli %scan3A_392, %mul3A_478 : i32
        %add3A_480 = arith.constant 96 : i32
        %add3A_481 = arith.addi %mul3A_479, %add3A_480 : i32
        %get3A_482 = arith.index_cast %add3A_481 : i32 to index
        %get3A_483 = tpu.vector_load %arg5[%get3A_482] {strides = array<i32>} : memref<20000xf32, #tpu.memory_space<vmem>>, vector<16xf32>,
        %get3A_484 = vector.shape_cast %get3A_483 : vector<16xf32> to vector<16xf32>
        %mul3A_485 = arith.constant 6.400000e+01 : f32
        %mul3A_486 = vector.broadcast %mul3A_485 : f32 to vector<16xf32>
        %mul3A_487 = arith.mulf %get3A_484, %mul3A_486 : vector<16xf32>
        %swap3A_488 = arith.index_cast %add3A_481 : i32 to index
        %swap3A_489 = tpu.vector_load %arg7[%swap3A_488] {strides = array<i32>} : memref<20000xf32, #tpu.memory_space<vmem>>, vector<16xf32>,
        %swap3A_490 = vector.shape_cast %swap3A_489 : vector<16xf32> to vector<16xf32>
        %swap3A_491 = vector.shape_cast %mul3A_487 : vector<16xf32> to vector<16xf32>
        tpu.vector_store %arg7[%swap3A_488], %swap3A_491 {strides = array<i32>} : memref<20000xf32, #tpu.memory_space<vmem>>, vector<16xf32>,
        %mul3A_492 = arith.constant 160 : i32
        %mul3A_493 = arith.muli %scan3A_392, %mul3A_492 : i32
        %add3A_494 = arith.constant 112 : i32
        %add3A_495 = arith.addi %mul3A_493, %add3A_494 : i32
        %get3A_496 = arith.index_cast %add3A_495 : i32 to index
        %get3A_497 = tpu.vector_load %arg5[%get3A_496] {strides = array<i32>} : memref<20000xf32, #tpu.memory_space<vmem>>, vector<16xf32>,
        %get3A_498 = vector.shape_cast %get3A_497 : vector<16xf32> to vector<16xf32>
        %mul3A_499 = arith.constant 6.400000e+01 : f32
        %mul3A_500 = vector.broadcast %mul3A_499 : f32 to vector<16xf32>
        %mul3A_501 = arith.mulf %get3A_498, %mul3A_500 : vector<16xf32>
        %swap3A_502 = arith.index_cast %add3A_495 : i32 to index
        %swap3A_503 = tpu.vector_load %arg7[%swap3A_502] {strides = array<i32>} : memref<20000xf32, #tpu.memory_space<vmem>>, vector<16xf32>,
        %swap3A_504 = vector.shape_cast %swap3A_503 : vector<16xf32> to vector<16xf32>
        %swap3A_505 = vector.shape_cast %mul3A_501 : vector<16xf32> to vector<16xf32>
        tpu.vector_store %arg7[%swap3A_502], %swap3A_505 {strides = array<i32>} : memref<20000xf32, #tpu.memory_space<vmem>>, vector<16xf32>,
        %mul3A_506 = arith.constant 160 : i32
        %mul3A_507 = arith.muli %scan3A_392, %mul3A_506 : i32
        %add3A_508 = arith.constant 128 : i32
        %add3A_509 = arith.addi %mul3A_507, %add3A_508 : i32
        %get3A_510 = arith.index_cast %add3A_509 : i32 to index
        %get3A_511 = tpu.vector_load %arg5[%get3A_510] {strides = array<i32>} : memref<20000xf32, #tpu.memory_space<vmem>>, vector<16xf32>,
        %get3A_512 = vector.shape_cast %get3A_511 : vector<16xf32> to vector<16xf32>
        %mul3A_513 = arith.constant 6.400000e+01 : f32
        %mul3A_514 = vector.broadcast %mul3A_513 : f32 to vector<16xf32>
        %mul3A_515 = arith.mulf %get3A_512, %mul3A_514 : vector<16xf32>
        %swap3A_516 = arith.index_cast %add3A_509 : i32 to index
        %swap3A_517 = tpu.vector_load %arg7[%swap3A_516] {strides = array<i32>} : memref<20000xf32, #tpu.memory_space<vmem>>, vector<16xf32>,
        %swap3A_518 = vector.shape_cast %swap3A_517 : vector<16xf32> to vector<16xf32>
        %swap3A_519 = vector.shape_cast %mul3A_515 : vector<16xf32> to vector<16xf32>
        tpu.vector_store %arg7[%swap3A_516], %swap3A_519 {strides = array<i32>} : memref<20000xf32, #tpu.memory_space<vmem>>, vector<16xf32>,
        %mul3A_520 = arith.constant 160 : i32
        %mul3A_521 = arith.muli %scan3A_392, %mul3A_520 : i32
        %add3A_522 = arith.constant 144 : i32
        %add3A_523 = arith.addi %mul3A_521, %add3A_522 : i32
        %get3A_524 = arith.index_cast %add3A_523 : i32 to index
        %get3A_525 = tpu.vector_load %arg5[%get3A_524] {strides = array<i32>} : memref<20000xf32, #tpu.memory_space<vmem>>, vector<16xf32>,
        %get3A_526 = vector.shape_cast %get3A_525 : vector<16xf32> to vector<16xf32>
        %mul3A_527 = arith.constant 6.400000e+01 : f32
        %mul3A_528 = vector.broadcast %mul3A_527 : f32 to vector<16xf32>
        %mul3A_529 = arith.mulf %get3A_526, %mul3A_528 : vector<16xf32>
        %swap3A_530 = arith.index_cast %add3A_523 : i32 to index
        %swap3A_531 = tpu.vector_load %arg7[%swap3A_530] {strides = array<i32>} : memref<20000xf32, #tpu.memory_space<vmem>>, vector<16xf32>,
        %swap3A_532 = vector.shape_cast %swap3A_531 : vector<16xf32> to vector<16xf32>
        %swap3A_533 = vector.shape_cast %mul3A_529 : vector<16xf32> to vector<16xf32>
        tpu.vector_store %arg7[%swap3A_530], %swap3A_533 {strides = array<i32>} : memref<20000xf32, #tpu.memory_space<vmem>>, vector<16xf32>,
        %scan3A_534 = arith.constant 0 : i32
        scf.yield %scan3A_534 : i32
      }
      %scan3A_352 = arith.constant 125 : i32
      %add3A_353 = arith.constant 2 : i32
      %add3A_354 = arith.addi %add3A_338, %add3A_353 : i32
      %lt3A = arith.constant 160 : i32
      %lt3A_355 = arith.cmpi slt, %add3A_354, %lt3A : i32
      %convert_element_type3A_356 = arith.extui %lt3A_355 : i1 to i32
      %cond3A_357 = arith.constant 0 : i32
      %cond3A_358 = arith.cmpi ne, %convert_element_type3A_356, %cond3A_357 : i32
      scf.if %cond3A_358 {
        %add3A_392 = arith.constant 40000 : i32
        %add3A_393 = arith.addi %add3A_341, %add3A_392 : i32
        %dma_start3A_394 = tpu.memref_slice %arg2[%add3A_393] : memref<102400000xf32, #tpu.memory_space<hbm>> -> memref<20000xf32, #tpu.memory_space<hbm>>
        %dma_start3A_395 = tpu.memref_slice %arg2[%add3A_393] : memref<102400000xf32, #tpu.memory_space<hbm>> -> memref<20000xf32, #tpu.memory_space<hbm>>
        tpu.enqueue_dma source(%dma_start3A_395 : memref<20000xf32, #tpu.memory_space<hbm>>) target(%arg5 : memref<20000xf32, #tpu.memory_space<vmem>>) target_semaphore(%arg12 : memref<!tpu.dma_semaphore, #tpu.memory_space<semaphore_mem>>)
      } else {
      }
      %dma_start3A_359 = tpu.memref_slice %arg4[%add3A_341] : memref<102400000xf32, #tpu.memory_space<hbm>> -> memref<20000xf32, #tpu.memory_space<hbm>>
      %dma_start3A_360 = tpu.memref_slice %arg4[%add3A_341] : memref<102400000xf32, #tpu.memory_space<hbm>> -> memref<20000xf32, #tpu.memory_space<hbm>>
      tpu.enqueue_dma source(%arg7 : memref<20000xf32, #tpu.memory_space<vmem>>) target(%dma_start3A_360 : memref<20000xf32, #tpu.memory_space<hbm>>) target_semaphore(%arg14 : memref<!tpu.dma_semaphore, #tpu.memory_space<semaphore_mem>>)
      %mul3A_361 = arith.constant 2 : i32
      %mul3A_362 = arith.muli %scan3A_333, %mul3A_361 : i32
      %add3A_363 = arith.constant 1 : i32
      %add3A_364 = arith.addi %mul3A_362, %add3A_363 : i32
      %mul3A_365 = arith.constant 20000 : i32
      %mul3A_366 = arith.muli %add3A_364, %mul3A_365 : i32
      %add3A_367 = arith.addi %mul3A_2, %mul3A_366 : i32
      %dma_wait3A_368 = tpu.memref_slice %arg2[%mul3A_2] : memref<102400000xf32, #tpu.memory_space<hbm>> -> memref<20000xf32, #tpu.memory_space<hbm>>
      %dma_wait3A_369 = tpu.memref_slice %arg2[%mul3A_2] : memref<102400000xf32, #tpu.memory_space<hbm>> -> memref<20000xf32, #tpu.memory_space<hbm>>
      tpu.wait_dma2 semaphore(%arg13 : memref<!tpu.dma_semaphore, #tpu.memory_space<semaphore_mem>>) src(%dma_wait3A_369 : memref<20000xf32, #tpu.memory_space<hbm>>) dst(%arg6 : memref<20000xf32, #tpu.memory_space<vmem>>)
      %ge3A_370 = arith.constant 2 : i32
      %ge3A_371 = arith.cmpi sge, %add3A_364, %ge3A_370 : i32
      %convert_element_type3A_372 = arith.extui %ge3A_371 : i1 to i32
      %cond3A_373 = arith.constant 0 : i32
      %cond3A_374 = arith.cmpi ne, %convert_element_type3A_372, %cond3A_373 : i32
      scf.if %cond3A_374 {
        %dma_wait3A_392 = tpu.memref_slice %arg4[%mul3A_2] : memref<102400000xf32, #tpu.memory_space<hbm>> -> memref<20000xf32, #tpu.memory_space<hbm>>
        %dma_wait3A_393 = tpu.memref_slice %arg4[%mul3A_2] : memref<102400000xf32, #tpu.memory_space<hbm>> -> memref<20000xf32, #tpu.memory_space<hbm>>
        tpu.wait_dma2 semaphore(%arg15 : memref<!tpu.dma_semaphore, #tpu.memory_space<semaphore_mem>>) src(%arg8 : memref<20000xf32, #tpu.memory_space<vmem>>) dst(%dma_wait3A_393 : memref<20000xf32, #tpu.memory_space<hbm>>)
      } else {
      }
      %scan3A_375 = arith.constant 0 : i32
      %scan3A_376 = arith.constant 0 : i32
      %scan3A_377 = arith.constant 125 : i32
      %scan3A_378 = arith.addi %scan3A_376, %scan3A_377 : i32
      %scan3A_379 = arith.constant 1 : i32
      %scan3A_380 = scf.for %scan3A_392 = %scan3A_376 to %scan3A_378 step %scan3A_379 iter_args(%scan3A_393 = %scan3A_375) -> (i32)  : i32 {
        %mul3A_394 = arith.constant 160 : i32
        %mul3A_395 = arith.muli %scan3A_392, %mul3A_394 : i32
        %add3A_396 = arith.constant 0 : i32
        %add3A_397 = arith.addi %mul3A_395, %add3A_396 : i32
        %get3A_398 = arith.index_cast %add3A_397 : i32 to index
        %get3A_399 = tpu.vector_load %arg6[%get3A_398] {strides = array<i32>} : memref<20000xf32, #tpu.memory_space<vmem>>, vector<16xf32>,
        %get3A_400 = vector.shape_cast %get3A_399 : vector<16xf32> to vector<16xf32>
        %mul3A_401 = arith.constant 6.400000e+01 : f32
        %mul3A_402 = vector.broadcast %mul3A_401 : f32 to vector<16xf32>
        %mul3A_403 = arith.mulf %get3A_400, %mul3A_402 : vector<16xf32>
        %swap3A_404 = arith.index_cast %add3A_397 : i32 to index
        %swap3A_405 = tpu.vector_load %arg8[%swap3A_404] {strides = array<i32>} : memref<20000xf32, #tpu.memory_space<vmem>>, vector<16xf32>,
        %swap3A_406 = vector.shape_cast %swap3A_405 : vector<16xf32> to vector<16xf32>
        %swap3A_407 = vector.shape_cast %mul3A_403 : vector<16xf32> to vector<16xf32>
        tpu.vector_store %arg8[%swap3A_404], %swap3A_407 {strides = array<i32>} : memref<20000xf32, #tpu.memory_space<vmem>>, vector<16xf32>,
        %mul3A_408 = arith.constant 160 : i32
        %mul3A_409 = arith.muli %scan3A_392, %mul3A_408 : i32
        %add3A_410 = arith.constant 16 : i32
        %add3A_411 = arith.addi %mul3A_409, %add3A_410 : i32
        %get3A_412 = arith.index_cast %add3A_411 : i32 to index
        %get3A_413 = tpu.vector_load %arg6[%get3A_412] {strides = array<i32>} : memref<20000xf32, #tpu.memory_space<vmem>>, vector<16xf32>,
        %get3A_414 = vector.shape_cast %get3A_413 : vector<16xf32> to vector<16xf32>
        %mul3A_415 = arith.constant 6.400000e+01 : f32
        %mul3A_416 = vector.broadcast %mul3A_415 : f32 to vector<16xf32>
        %mul3A_417 = arith.mulf %get3A_414, %mul3A_416 : vector<16xf32>
        %swap3A_418 = arith.index_cast %add3A_411 : i32 to index
        %swap3A_419 = tpu.vector_load %arg8[%swap3A_418] {strides = array<i32>} : memref<20000xf32, #tpu.memory_space<vmem>>, vector<16xf32>,
        %swap3A_420 = vector.shape_cast %swap3A_419 : vector<16xf32> to vector<16xf32>
        %swap3A_421 = vector.shape_cast %mul3A_417 : vector<16xf32> to vector<16xf32>
        tpu.vector_store %arg8[%swap3A_418], %swap3A_421 {strides = array<i32>} : memref<20000xf32, #tpu.memory_space<vmem>>, vector<16xf32>,
        %mul3A_422 = arith.constant 160 : i32
        %mul3A_423 = arith.muli %scan3A_392, %mul3A_422 : i32
        %add3A_424 = arith.constant 32 : i32
        %add3A_425 = arith.addi %mul3A_423, %add3A_424 : i32
        %get3A_426 = arith.index_cast %add3A_425 : i32 to index
        %get3A_427 = tpu.vector_load %arg6[%get3A_426] {strides = array<i32>} : memref<20000xf32, #tpu.memory_space<vmem>>, vector<16xf32>,
        %get3A_428 = vector.shape_cast %get3A_427 : vector<16xf32> to vector<16xf32>
        %mul3A_429 = arith.constant 6.400000e+01 : f32
        %mul3A_430 = vector.broadcast %mul3A_429 : f32 to vector<16xf32>
        %mul3A_431 = arith.mulf %get3A_428, %mul3A_430 : vector<16xf32>
        %swap3A_432 = arith.index_cast %add3A_425 : i32 to index
        %swap3A_433 = tpu.vector_load %arg8[%swap3A_432] {strides = array<i32>} : memref<20000xf32, #tpu.memory_space<vmem>>, vector<16xf32>,
        %swap3A_434 = vector.shape_cast %swap3A_433 : vector<16xf32> to vector<16xf32>
        %swap3A_435 = vector.shape_cast %mul3A_431 : vector<16xf32> to vector<16xf32>
        tpu.vector_store %arg8[%swap3A_432], %swap3A_435 {strides = array<i32>} : memref<20000xf32, #tpu.memory_space<vmem>>, vector<16xf32>,
        %mul3A_436 = arith.constant 160 : i32
        %mul3A_437 = arith.muli %scan3A_392, %mul3A_436 : i32
        %add3A_438 = arith.constant 48 : i32
        %add3A_439 = arith.addi %mul3A_437, %add3A_438 : i32
        %get3A_440 = arith.index_cast %add3A_439 : i32 to index
        %get3A_441 = tpu.vector_load %arg6[%get3A_440] {strides = array<i32>} : memref<20000xf32, #tpu.memory_space<vmem>>, vector<16xf32>,
        %get3A_442 = vector.shape_cast %get3A_441 : vector<16xf32> to vector<16xf32>
        %mul3A_443 = arith.constant 6.400000e+01 : f32
        %mul3A_444 = vector.broadcast %mul3A_443 : f32 to vector<16xf32>
        %mul3A_445 = arith.mulf %get3A_442, %mul3A_444 : vector<16xf32>
        %swap3A_446 = arith.index_cast %add3A_439 : i32 to index
        %swap3A_447 = tpu.vector_load %arg8[%swap3A_446] {strides = array<i32>} : memref<20000xf32, #tpu.memory_space<vmem>>, vector<16xf32>,
        %swap3A_448 = vector.shape_cast %swap3A_447 : vector<16xf32> to vector<16xf32>
        %swap3A_449 = vector.shape_cast %mul3A_445 : vector<16xf32> to vector<16xf32>
        tpu.vector_store %arg8[%swap3A_446], %swap3A_449 {strides = array<i32>} : memref<20000xf32, #tpu.memory_space<vmem>>, vector<16xf32>,
        %mul3A_450 = arith.constant 160 : i32
        %mul3A_451 = arith.muli %scan3A_392, %mul3A_450 : i32
        %add3A_452 = arith.constant 64 : i32
        %add3A_453 = arith.addi %mul3A_451, %add3A_452 : i32
        %get3A_454 = arith.index_cast %add3A_453 : i32 to index
        %get3A_455 = tpu.vector_load %arg6[%get3A_454] {strides = array<i32>} : memref<20000xf32, #tpu.memory_space<vmem>>, vector<16xf32>,
        %get3A_456 = vector.shape_cast %get3A_455 : vector<16xf32> to vector<16xf32>
        %mul3A_457 = arith.constant 6.400000e+01 : f32
        %mul3A_458 = vector.broadcast %mul3A_457 : f32 to vector<16xf32>
        %mul3A_459 = arith.mulf %get3A_456, %mul3A_458 : vector<16xf32>
        %swap3A_460 = arith.index_cast %add3A_453 : i32 to index
        %swap3A_461 = tpu.vector_load %arg8[%swap3A_460] {strides = array<i32>} : memref<20000xf32, #tpu.memory_space<vmem>>, vector<16xf32>,
        %swap3A_462 = vector.shape_cast %swap3A_461 : vector<16xf32> to vector<16xf32>
        %swap3A_463 = vector.shape_cast %mul3A_459 : vector<16xf32> to vector<16xf32>
        tpu.vector_store %arg8[%swap3A_460], %swap3A_463 {strides = array<i32>} : memref<20000xf32, #tpu.memory_space<vmem>>, vector<16xf32>,
        %mul3A_464 = arith.constant 160 : i32
        %mul3A_465 = arith.muli %scan3A_392, %mul3A_464 : i32
        %add3A_466 = arith.constant 80 : i32
        %add3A_467 = arith.addi %mul3A_465, %add3A_466 : i32
        %get3A_468 = arith.index_cast %add3A_467 : i32 to index
        %get3A_469 = tpu.vector_load %arg6[%get3A_468] {strides = array<i32>} : memref<20000xf32, #tpu.memory_space<vmem>>, vector<16xf32>,
        %get3A_470 = vector.shape_cast %get3A_469 : vector<16xf32> to vector<16xf32>
        %mul3A_471 = arith.constant 6.400000e+01 : f32
        %mul3A_472 = vector.broadcast %mul3A_471 : f32 to vector<16xf32>
        %mul3A_473 = arith.mulf %get3A_470, %mul3A_472 : vector<16xf32>
        %swap3A_474 = arith.index_cast %add3A_467 : i32 to index
        %swap3A_475 = tpu.vector_load %arg8[%swap3A_474] {strides = array<i32>} : memref<20000xf32, #tpu.memory_space<vmem>>, vector<16xf32>,
        %swap3A_476 = vector.shape_cast %swap3A_475 : vector<16xf32> to vector<16xf32>
        %swap3A_477 = vector.shape_cast %mul3A_473 : vector<16xf32> to vector<16xf32>
        tpu.vector_store %arg8[%swap3A_474], %swap3A_477 {strides = array<i32>} : memref<20000xf32, #tpu.memory_space<vmem>>, vector<16xf32>,
        %mul3A_478 = arith.constant 160 : i32
        %mul3A_479 = arith.muli %scan3A_392, %mul3A_478 : i32
        %add3A_480 = arith.constant 96 : i32
        %add3A_481 = arith.addi %mul3A_479, %add3A_480 : i32
        %get3A_482 = arith.index_cast %add3A_481 : i32 to index
        %get3A_483 = tpu.vector_load %arg6[%get3A_482] {strides = array<i32>} : memref<20000xf32, #tpu.memory_space<vmem>>, vector<16xf32>,
        %get3A_484 = vector.shape_cast %get3A_483 : vector<16xf32> to vector<16xf32>
        %mul3A_485 = arith.constant 6.400000e+01 : f32
        %mul3A_486 = vector.broadcast %mul3A_485 : f32 to vector<16xf32>
        %mul3A_487 = arith.mulf %get3A_484, %mul3A_486 : vector<16xf32>
        %swap3A_488 = arith.index_cast %add3A_481 : i32 to index
        %swap3A_489 = tpu.vector_load %arg8[%swap3A_488] {strides = array<i32>} : memref<20000xf32, #tpu.memory_space<vmem>>, vector<16xf32>,
        %swap3A_490 = vector.shape_cast %swap3A_489 : vector<16xf32> to vector<16xf32>
        %swap3A_491 = vector.shape_cast %mul3A_487 : vector<16xf32> to vector<16xf32>
        tpu.vector_store %arg8[%swap3A_488], %swap3A_491 {strides = array<i32>} : memref<20000xf32, #tpu.memory_space<vmem>>, vector<16xf32>,
        %mul3A_492 = arith.constant 160 : i32
        %mul3A_493 = arith.muli %scan3A_392, %mul3A_492 : i32
        %add3A_494 = arith.constant 112 : i32
        %add3A_495 = arith.addi %mul3A_493, %add3A_494 : i32
        %get3A_496 = arith.index_cast %add3A_495 : i32 to index
        %get3A_497 = tpu.vector_load %arg6[%get3A_496] {strides = array<i32>} : memref<20000xf32, #tpu.memory_space<vmem>>, vector<16xf32>,
        %get3A_498 = vector.shape_cast %get3A_497 : vector<16xf32> to vector<16xf32>
        %mul3A_499 = arith.constant 6.400000e+01 : f32
        %mul3A_500 = vector.broadcast %mul3A_499 : f32 to vector<16xf32>
        %mul3A_501 = arith.mulf %get3A_498, %mul3A_500 : vector<16xf32>
        %swap3A_502 = arith.index_cast %add3A_495 : i32 to index
        %swap3A_503 = tpu.vector_load %arg8[%swap3A_502] {strides = array<i32>} : memref<20000xf32, #tpu.memory_space<vmem>>, vector<16xf32>,
        %swap3A_504 = vector.shape_cast %swap3A_503 : vector<16xf32> to vector<16xf32>
        %swap3A_505 = vector.shape_cast %mul3A_501 : vector<16xf32> to vector<16xf32>
        tpu.vector_store %arg8[%swap3A_502], %swap3A_505 {strides = array<i32>} : memref<20000xf32, #tpu.memory_space<vmem>>, vector<16xf32>,
        %mul3A_506 = arith.constant 160 : i32
        %mul3A_507 = arith.muli %scan3A_392, %mul3A_506 : i32
        %add3A_508 = arith.constant 128 : i32
        %add3A_509 = arith.addi %mul3A_507, %add3A_508 : i32
        %get3A_510 = arith.index_cast %add3A_509 : i32 to index
        %get3A_511 = tpu.vector_load %arg6[%get3A_510] {strides = array<i32>} : memref<20000xf32, #tpu.memory_space<vmem>>, vector<16xf32>,
        %get3A_512 = vector.shape_cast %get3A_511 : vector<16xf32> to vector<16xf32>
        %mul3A_513 = arith.constant 6.400000e+01 : f32
        %mul3A_514 = vector.broadcast %mul3A_513 : f32 to vector<16xf32>
        %mul3A_515 = arith.mulf %get3A_512, %mul3A_514 : vector<16xf32>
        %swap3A_516 = arith.index_cast %add3A_509 : i32 to index
        %swap3A_517 = tpu.vector_load %arg8[%swap3A_516] {strides = array<i32>} : memref<20000xf32, #tpu.memory_space<vmem>>, vector<16xf32>,
        %swap3A_518 = vector.shape_cast %swap3A_517 : vector<16xf32> to vector<16xf32>
        %swap3A_519 = vector.shape_cast %mul3A_515 : vector<16xf32> to vector<16xf32>
        tpu.vector_store %arg8[%swap3A_516], %swap3A_519 {strides = array<i32>} : memref<20000xf32, #tpu.memory_space<vmem>>, vector<16xf32>,
        %mul3A_520 = arith.constant 160 : i32
        %mul3A_521 = arith.muli %scan3A_392, %mul3A_520 : i32
        %add3A_522 = arith.constant 144 : i32
        %add3A_523 = arith.addi %mul3A_521, %add3A_522 : i32
        %get3A_524 = arith.index_cast %add3A_523 : i32 to index
        %get3A_525 = tpu.vector_load %arg6[%get3A_524] {strides = array<i32>} : memref<20000xf32, #tpu.memory_space<vmem>>, vector<16xf32>,
        %get3A_526 = vector.shape_cast %get3A_525 : vector<16xf32> to vector<16xf32>
        %mul3A_527 = arith.constant 6.400000e+01 : f32
        %mul3A_528 = vector.broadcast %mul3A_527 : f32 to vector<16xf32>
        %mul3A_529 = arith.mulf %get3A_526, %mul3A_528 : vector<16xf32>
        %swap3A_530 = arith.index_cast %add3A_523 : i32 to index
        %swap3A_531 = tpu.vector_load %arg8[%swap3A_530] {strides = array<i32>} : memref<20000xf32, #tpu.memory_space<vmem>>, vector<16xf32>,
        %swap3A_532 = vector.shape_cast %swap3A_531 : vector<16xf32> to vector<16xf32>
        %swap3A_533 = vector.shape_cast %mul3A_529 : vector<16xf32> to vector<16xf32>
        tpu.vector_store %arg8[%swap3A_530], %swap3A_533 {strides = array<i32>} : memref<20000xf32, #tpu.memory_space<vmem>>, vector<16xf32>,
        %scan3A_534 = arith.constant 0 : i32
        scf.yield %scan3A_534 : i32
      }
      %scan3A_381 = arith.constant 125 : i32
      %add3A_382 = arith.constant 2 : i32
      %add3A_383 = arith.addi %add3A_364, %add3A_382 : i32
      %lt3A_384 = arith.constant 160 : i32
      %lt3A_385 = arith.cmpi slt, %add3A_383, %lt3A_384 : i32
      %convert_element_type3A_386 = arith.extui %lt3A_385 : i1 to i32
      %cond3A_387 = arith.constant 0 : i32
      %cond3A_388 = arith.cmpi ne, %convert_element_type3A_386, %cond3A_387 : i32
      scf.if %cond3A_388 {
        %add3A_392 = arith.constant 40000 : i32
        %add3A_393 = arith.addi %add3A_367, %add3A_392 : i32
        %dma_start3A_394 = tpu.memref_slice %arg2[%add3A_393] : memref<102400000xf32, #tpu.memory_space<hbm>> -> memref<20000xf32, #tpu.memory_space<hbm>>
        %dma_start3A_395 = tpu.memref_slice %arg2[%add3A_393] : memref<102400000xf32, #tpu.memory_space<hbm>> -> memref<20000xf32, #tpu.memory_space<hbm>>
        tpu.enqueue_dma source(%dma_start3A_395 : memref<20000xf32, #tpu.memory_space<hbm>>) target(%arg6 : memref<20000xf32, #tpu.memory_space<vmem>>) target_semaphore(%arg13 : memref<!tpu.dma_semaphore, #tpu.memory_space<semaphore_mem>>)
      } else {
      }
      %dma_start3A_389 = tpu.memref_slice %arg4[%add3A_367] : memref<102400000xf32, #tpu.memory_space<hbm>> -> memref<20000xf32, #tpu.memory_space<hbm>>
      %dma_start3A_390 = tpu.memref_slice %arg4[%add3A_367] : memref<102400000xf32, #tpu.memory_space<hbm>> -> memref<20000xf32, #tpu.memory_space<hbm>>
      tpu.enqueue_dma source(%arg8 : memref<20000xf32, #tpu.memory_space<vmem>>) target(%dma_start3A_390 : memref<20000xf32, #tpu.memory_space<hbm>>) target_semaphore(%arg15 : memref<!tpu.dma_semaphore, #tpu.memory_space<semaphore_mem>>)
      %scan3A_391 = arith.constant 0 : i32
      scf.yield %scan3A_391 : i32
    }
    %scan3A_13 = arith.constant 80 : i32
    %dma_wait3A = tpu.memref_slice %arg4[%mul3A_2] : memref<102400000xf32, #tpu.memory_space<hbm>> -> memref<20000xf32, #tpu.memory_space<hbm>>
    %dma_wait3A_14 = tpu.memref_slice %arg4[%mul3A_2] : memref<102400000xf32, #tpu.memory_space<hbm>> -> memref<20000xf32, #tpu.memory_space<hbm>>
    tpu.wait_dma2 semaphore(%arg14 : memref<!tpu.dma_semaphore, #tpu.memory_space<semaphore_mem>>) src(%arg7 : memref<20000xf32, #tpu.memory_space<vmem>>) dst(%dma_wait3A_14 : memref<20000xf32, #tpu.memory_space<hbm>>)
    %dma_wait3A_15 = tpu.memref_slice %arg4[%mul3A_2] : memref<102400000xf32, #tpu.memory_space<hbm>> -> memref<20000xf32, #tpu.memory_space<hbm>>
    %dma_wait3A_16 = tpu.memref_slice %arg4[%mul3A_2] : memref<102400000xf32, #tpu.memory_space<hbm>> -> memref<20000xf32, #tpu.memory_space<hbm>>
    tpu.wait_dma2 semaphore(%arg15 : memref<!tpu.dma_semaphore, #tpu.memory_space<semaphore_mem>>) src(%arg8 : memref<20000xf32, #tpu.memory_space<vmem>>) dst(%dma_wait3A_16 : memref<20000xf32, #tpu.memory_space<hbm>>)
    %mul3A_17 = arith.constant 32 : i32
    %mul3A_18 = arith.muli %add3A, %mul3A_17 : i32
    "tpu.region"() ({
      %run_scoped3A = tpu.sem_alloc : memref<!tpu.dma_semaphore, #tpu.memory_space<semaphore_mem>>
      %dma_start3A_333 = tpu.memref_slice %arg3[%mul3A_18] : memref<1024xi32, #tpu.memory_space<hbm>> -> memref<32xi32, #tpu.memory_space<hbm>>
      %dma_start3A_334 = tpu.memref_slice %arg3[%mul3A_18] : memref<1024xi32, #tpu.memory_space<hbm>> -> memref<32xi32, #tpu.memory_space<hbm>>
      tpu.enqueue_dma source(%dma_start3A_334 : memref<32xi32, #tpu.memory_space<hbm>>) target(%arg9 : memref<32xi32, #tpu.memory_space<vmem>>) target_semaphore(%run_scoped3A : memref<!tpu.dma_semaphore, #tpu.memory_space<semaphore_mem>>)
      %dma_wait3A_335 = tpu.memref_slice %arg3[%mul3A_18] : memref<1024xi32, #tpu.memory_space<hbm>> -> memref<32xi32, #tpu.memory_space<hbm>>
      %dma_wait3A_336 = tpu.memref_slice %arg3[%mul3A_18] : memref<1024xi32, #tpu.memory_space<hbm>> -> memref<32xi32, #tpu.memory_space<hbm>>
      tpu.wait_dma2 semaphore(%run_scoped3A : memref<!tpu.dma_semaphore, #tpu.memory_space<semaphore_mem>>) src(%dma_wait3A_336 : memref<32xi32, #tpu.memory_space<hbm>>) dst(%arg9 : memref<32xi32, #tpu.memory_space<vmem>>)
      tpu.yield
    }) : () -> ()
    %get3A = arith.constant 0 : index
    %get3A_19 = tpu.vector_load %arg9[%get3A] {strides = array<i32>} : memref<32xi32, #tpu.memory_space<vmem>>, vector<16xi32>,
    %get3A_20 = vector.shape_cast %get3A_19 : vector<16xi32> to vector<16xi32>
    %add3A_21 = arith.constant 0 : i32
    %add3A_22 = arith.addi %mul3A_18, %add3A_21 : i32
    %iota3A = tpu.iota {dimensions = array<i32: 0>} : vector<16xi32>
    %add3A_23 = vector.broadcast %add3A_22 : i32 to vector<16xi32>
    %add3A_24 = arith.addi %add3A_23, %iota3A : vector<16xi32>
    %mul3A_25 = arith.constant 100000 : i32
    %mul3A_26 = vector.broadcast %mul3A_25 : i32 to vector<16xi32>
    %mul3A_27 = arith.muli %add3A_24, %mul3A_26 : vector<16xi32>
    %add3A_28 = arith.addi %mul3A_27, %get3A_20 : vector<16xi32>
    %swap3A = arith.constant 0 : index
    %swap3A_29 = tpu.vector_load %arg10[%swap3A] {strides = array<i32>} : memref<32xi32, #tpu.memory_space<vmem>>, vector<16xi32>,
    %swap3A_30 = vector.shape_cast %swap3A_29 : vector<16xi32> to vector<16xi32>
    %swap3A_31 = vector.shape_cast %add3A_28 : vector<16xi32> to vector<16xi32>
    tpu.vector_store %arg10[%swap3A], %swap3A_31 {strides = array<i32>} : memref<32xi32, #tpu.memory_space<vmem>>, vector<16xi32>,
    %get3A_32 = arith.constant 16 : index
    %get3A_33 = tpu.vector_load %arg9[%get3A_32] {strides = array<i32>} : memref<32xi32, #tpu.memory_space<vmem>>, vector<16xi32>,
    %get3A_34 = vector.shape_cast %get3A_33 : vector<16xi32> to vector<16xi32>
    %add3A_35 = arith.constant 16 : i32
    %add3A_36 = arith.addi %mul3A_18, %add3A_35 : i32
    %iota3A_37 = tpu.iota {dimensions = array<i32: 0>} : vector<16xi32>
    %add3A_38 = vector.broadcast %add3A_36 : i32 to vector<16xi32>
    %add3A_39 = arith.addi %add3A_38, %iota3A_37 : vector<16xi32>
    %mul3A_40 = arith.constant 100000 : i32
    %mul3A_41 = vector.broadcast %mul3A_40 : i32 to vector<16xi32>
    %mul3A_42 = arith.muli %add3A_39, %mul3A_41 : vector<16xi32>
    %add3A_43 = arith.addi %mul3A_42, %get3A_34 : vector<16xi32>
    %swap3A_44 = arith.constant 16 : index
    %swap3A_45 = tpu.vector_load %arg10[%swap3A_44] {strides = array<i32>} : memref<32xi32, #tpu.memory_space<vmem>>, vector<16xi32>,
    %swap3A_46 = vector.shape_cast %swap3A_45 : vector<16xi32> to vector<16xi32>
    %swap3A_47 = vector.shape_cast %add3A_43 : vector<16xi32> to vector<16xi32>
    tpu.vector_store %arg10[%swap3A_44], %swap3A_47 {strides = array<i32>} : memref<32xi32, #tpu.memory_space<vmem>>, vector<16xi32>,
    %dma_start3A_48 = arith.constant 0 : i32
    %dma_start3A_49 = tpu.memref_slice %arg2[%dma_start3A_48] : memref<102400000xf32, #tpu.memory_space<hbm>> -> memref<102400000xf32, #tpu.memory_space<hbm>>
    tpu.enqueue_indirect_dma source(%dma_start3A_49 : memref<102400000xf32, #tpu.memory_space<hbm>>) target(%arg11 : memref<32xf32, #tpu.memory_space<vmem>>) offsets(%arg10 : memref<32xi32, #tpu.memory_space<vmem>>) semaphore(%arg16 : memref<!tpu.dma_semaphore, #tpu.memory_space<semaphore_mem>>)
    %dma_wait3A_50 = arith.constant 0 : i32
    %dma_wait3A_51 = tpu.memref_slice %arg2[%dma_wait3A_50] : memref<102400000xf32, #tpu.memory_space<hbm>> -> memref<102400000xf32, #tpu.memory_space<hbm>>
    tpu.wait_indirect_dma semaphore(%arg16 : memref<!tpu.dma_semaphore, #tpu.memory_space<semaphore_mem>>) src(%dma_wait3A_51 : memref<102400000xf32, #tpu.memory_space<hbm>>) dst(%arg11 : memref<32xf32, #tpu.memory_space<vmem>>)
    %get3A_52 = arith.constant 0 : index
    %get3A_53 = tpu.vector_load %arg11[%get3A_52] {strides = array<i32>} : memref<32xf32, #tpu.memory_space<vmem>>, vector<16xf32>,
    %get3A_54 = vector.shape_cast %get3A_53 : vector<16xf32> to vector<16xf32>
    %mul3A_55 = arith.mulf %get3A_54, %get3A_54 : vector<16xf32>
    %sub3A = arith.constant 1.000000e+00 : f32
    %sub3A_56 = vector.broadcast %sub3A : f32 to vector<16xf32>
    %sub3A_57 = arith.subf %sub3A_56, %mul3A_55 : vector<16xf32>
    %max3A = arith.constant 1.000000e-30 : f32
    %max3A_58 = vector.broadcast %max3A : f32 to vector<16xf32>
    %max3A_59 = arith.maximumf %sub3A_57, %max3A_58 : vector<16xf32>
    %add3A_60 = arith.constant 1.000000e+00 : f32
    %add3A_61 = vector.broadcast %add3A_60 : f32 to vector<16xf32>
    %add3A_62 = arith.addf %max3A_59, %add3A_61 : vector<16xf32>
    %mul3A_63 = arith.constant 5.000000e-01 : f32
    %mul3A_64 = vector.broadcast %mul3A_63 : f32 to vector<16xf32>
    %mul3A_65 = arith.mulf %mul3A_64, %add3A_62 : vector<16xf32>
    %div3A = arith.divf %max3A_59, %mul3A_65 : vector<16xf32>
    %add3A_66 = arith.addf %mul3A_65, %div3A : vector<16xf32>
    %mul3A_67 = arith.constant 5.000000e-01 : f32
    %mul3A_68 = vector.broadcast %mul3A_67 : f32 to vector<16xf32>
    %mul3A_69 = arith.mulf %mul3A_68, %add3A_66 : vector<16xf32>
    %div3A_70 = arith.divf %max3A_59, %mul3A_69 : vector<16xf32>
    %add3A_71 = arith.addf %mul3A_69, %div3A_70 : vector<16xf32>
    %mul3A_72 = arith.constant 5.000000e-01 : f32
    %mul3A_73 = vector.broadcast %mul3A_72 : f32 to vector<16xf32>
    %mul3A_74 = arith.mulf %mul3A_73, %add3A_71 : vector<16xf32>
    %div3A_75 = arith.divf %max3A_59, %mul3A_74 : vector<16xf32>
    %add3A_76 = arith.addf %mul3A_74, %div3A_75 : vector<16xf32>
    %mul3A_77 = arith.constant 5.000000e-01 : f32
    %mul3A_78 = vector.broadcast %mul3A_77 : f32 to vector<16xf32>
    %mul3A_79 = arith.mulf %mul3A_78, %add3A_76 : vector<16xf32>
    %div3A_80 = arith.divf %max3A_59, %mul3A_79 : vector<16xf32>
    %add3A_81 = arith.addf %mul3A_79, %div3A_80 : vector<16xf32>
    %mul3A_82 = arith.constant 5.000000e-01 : f32
    %mul3A_83 = vector.broadcast %mul3A_82 : f32 to vector<16xf32>
    %mul3A_84 = arith.mulf %mul3A_83, %add3A_81 : vector<16xf32>
    %div3A_85 = arith.divf %max3A_59, %mul3A_84 : vector<16xf32>
    %add3A_86 = arith.addf %mul3A_84, %div3A_85 : vector<16xf32>
    %mul3A_87 = arith.constant 5.000000e-01 : f32
    %mul3A_88 = vector.broadcast %mul3A_87 : f32 to vector<16xf32>
    %mul3A_89 = arith.mulf %mul3A_88, %add3A_86 : vector<16xf32>
    %div3A_90 = arith.divf %max3A_59, %mul3A_89 : vector<16xf32>
    %add3A_91 = arith.addf %mul3A_89, %div3A_90 : vector<16xf32>
    %mul3A_92 = arith.constant 5.000000e-01 : f32
    %mul3A_93 = vector.broadcast %mul3A_92 : f32 to vector<16xf32>
    %mul3A_94 = arith.mulf %mul3A_93, %add3A_91 : vector<16xf32>
    %div3A_95 = arith.divf %max3A_59, %mul3A_94 : vector<16xf32>
    %add3A_96 = arith.addf %mul3A_94, %div3A_95 : vector<16xf32>
    %mul3A_97 = arith.constant 5.000000e-01 : f32
    %mul3A_98 = vector.broadcast %mul3A_97 : f32 to vector<16xf32>
    %mul3A_99 = arith.mulf %mul3A_98, %add3A_96 : vector<16xf32>
    %div3A_100 = arith.divf %max3A_59, %mul3A_99 : vector<16xf32>
    %add3A_101 = arith.addf %mul3A_99, %div3A_100 : vector<16xf32>
    %mul3A_102 = arith.constant 5.000000e-01 : f32
    %mul3A_103 = vector.broadcast %mul3A_102 : f32 to vector<16xf32>
    %mul3A_104 = arith.mulf %mul3A_103, %add3A_101 : vector<16xf32>
    %div3A_105 = arith.divf %max3A_59, %mul3A_104 : vector<16xf32>
    %add3A_106 = arith.addf %mul3A_104, %div3A_105 : vector<16xf32>
    %mul3A_107 = arith.constant 5.000000e-01 : f32
    %mul3A_108 = vector.broadcast %mul3A_107 : f32 to vector<16xf32>
    %mul3A_109 = arith.mulf %mul3A_108, %add3A_106 : vector<16xf32>
    %div3A_110 = arith.divf %max3A_59, %mul3A_109 : vector<16xf32>
    %add3A_111 = arith.addf %mul3A_109, %div3A_110 : vector<16xf32>
    %mul3A_112 = arith.constant 5.000000e-01 : f32
    %mul3A_113 = vector.broadcast %mul3A_112 : f32 to vector<16xf32>
    %mul3A_114 = arith.mulf %mul3A_113, %add3A_111 : vector<16xf32>
    %div3A_115 = arith.divf %max3A_59, %mul3A_114 : vector<16xf32>
    %add3A_116 = arith.addf %mul3A_114, %div3A_115 : vector<16xf32>
    %mul3A_117 = arith.constant 5.000000e-01 : f32
    %mul3A_118 = vector.broadcast %mul3A_117 : f32 to vector<16xf32>
    %mul3A_119 = arith.mulf %mul3A_118, %add3A_116 : vector<16xf32>
    %div3A_120 = arith.divf %max3A_59, %mul3A_119 : vector<16xf32>
    %add3A_121 = arith.addf %mul3A_119, %div3A_120 : vector<16xf32>
    %mul3A_122 = arith.constant 5.000000e-01 : f32
    %mul3A_123 = vector.broadcast %mul3A_122 : f32 to vector<16xf32>
    %mul3A_124 = arith.mulf %mul3A_123, %add3A_121 : vector<16xf32>
    %div3A_125 = arith.divf %max3A_59, %mul3A_124 : vector<16xf32>
    %add3A_126 = arith.addf %mul3A_124, %div3A_125 : vector<16xf32>
    %mul3A_127 = arith.constant 5.000000e-01 : f32
    %mul3A_128 = vector.broadcast %mul3A_127 : f32 to vector<16xf32>
    %mul3A_129 = arith.mulf %mul3A_128, %add3A_126 : vector<16xf32>
    %div3A_130 = arith.divf %max3A_59, %mul3A_129 : vector<16xf32>
    %add3A_131 = arith.addf %mul3A_129, %div3A_130 : vector<16xf32>
    %mul3A_132 = arith.constant 5.000000e-01 : f32
    %mul3A_133 = vector.broadcast %mul3A_132 : f32 to vector<16xf32>
    %mul3A_134 = arith.mulf %mul3A_133, %add3A_131 : vector<16xf32>
    %div3A_135 = arith.divf %max3A_59, %mul3A_134 : vector<16xf32>
    %add3A_136 = arith.addf %mul3A_134, %div3A_135 : vector<16xf32>
    %mul3A_137 = arith.constant 5.000000e-01 : f32
    %mul3A_138 = vector.broadcast %mul3A_137 : f32 to vector<16xf32>
    %mul3A_139 = arith.mulf %mul3A_138, %add3A_136 : vector<16xf32>
    %div3A_140 = arith.divf %max3A_59, %mul3A_139 : vector<16xf32>
    %add3A_141 = arith.addf %mul3A_139, %div3A_140 : vector<16xf32>
    %mul3A_142 = arith.constant 5.000000e-01 : f32
    %mul3A_143 = vector.broadcast %mul3A_142 : f32 to vector<16xf32>
    %mul3A_144 = arith.mulf %mul3A_143, %add3A_141 : vector<16xf32>
    %div3A_145 = arith.divf %max3A_59, %mul3A_144 : vector<16xf32>
    %add3A_146 = arith.addf %mul3A_144, %div3A_145 : vector<16xf32>
    %mul3A_147 = arith.constant 5.000000e-01 : f32
    %mul3A_148 = vector.broadcast %mul3A_147 : f32 to vector<16xf32>
    %mul3A_149 = arith.mulf %mul3A_148, %add3A_146 : vector<16xf32>
    %div3A_150 = arith.divf %max3A_59, %mul3A_149 : vector<16xf32>
    %add3A_151 = arith.addf %mul3A_149, %div3A_150 : vector<16xf32>
    %mul3A_152 = arith.constant 5.000000e-01 : f32
    %mul3A_153 = vector.broadcast %mul3A_152 : f32 to vector<16xf32>
    %mul3A_154 = arith.mulf %mul3A_153, %add3A_151 : vector<16xf32>
    %div3A_155 = arith.divf %max3A_59, %mul3A_154 : vector<16xf32>
    %add3A_156 = arith.addf %mul3A_154, %div3A_155 : vector<16xf32>
    %mul3A_157 = arith.constant 5.000000e-01 : f32
    %mul3A_158 = vector.broadcast %mul3A_157 : f32 to vector<16xf32>
    %mul3A_159 = arith.mulf %mul3A_158, %add3A_156 : vector<16xf32>
    %div3A_160 = arith.divf %max3A_59, %mul3A_159 : vector<16xf32>
    %add3A_161 = arith.addf %mul3A_159, %div3A_160 : vector<16xf32>
    %mul3A_162 = arith.constant 5.000000e-01 : f32
    %mul3A_163 = vector.broadcast %mul3A_162 : f32 to vector<16xf32>
    %mul3A_164 = arith.mulf %mul3A_163, %add3A_161 : vector<16xf32>
    %div3A_165 = arith.divf %max3A_59, %mul3A_164 : vector<16xf32>
    %add3A_166 = arith.addf %mul3A_164, %div3A_165 : vector<16xf32>
    %mul3A_167 = arith.constant 5.000000e-01 : f32
    %mul3A_168 = vector.broadcast %mul3A_167 : f32 to vector<16xf32>
    %mul3A_169 = arith.mulf %mul3A_168, %add3A_166 : vector<16xf32>
    %div3A_170 = arith.divf %max3A_59, %mul3A_169 : vector<16xf32>
    %add3A_171 = arith.addf %mul3A_169, %div3A_170 : vector<16xf32>
    %mul3A_172 = arith.constant 5.000000e-01 : f32
    %mul3A_173 = vector.broadcast %mul3A_172 : f32 to vector<16xf32>
    %mul3A_174 = arith.mulf %mul3A_173, %add3A_171 : vector<16xf32>
    %mul3A_175 = arith.constant 0.87758255 : f32
    %mul3A_176 = vector.broadcast %mul3A_175 : f32 to vector<16xf32>
    %mul3A_177 = arith.mulf %get3A_54, %mul3A_176 : vector<16xf32>
    %mul3A_178 = arith.constant 0.47942555 : f32
    %mul3A_179 = vector.broadcast %mul3A_178 : f32 to vector<16xf32>
    %mul3A_180 = arith.mulf %mul3A_174, %mul3A_179 : vector<16xf32>
    %sub3A_181 = arith.subf %mul3A_177, %mul3A_180 : vector<16xf32>
    %mul3A_182 = arith.constant 6.400000e+01 : f32
    %mul3A_183 = vector.broadcast %mul3A_182 : f32 to vector<16xf32>
    %mul3A_184 = arith.mulf %sub3A_181, %mul3A_183 : vector<16xf32>
    %swap3A_185 = arith.constant 0 : index
    %swap3A_186 = tpu.vector_load %arg11[%swap3A_185] {strides = array<i32>} : memref<32xf32, #tpu.memory_space<vmem>>, vector<16xf32>,
    %swap3A_187 = vector.shape_cast %swap3A_186 : vector<16xf32> to vector<16xf32>
    %swap3A_188 = vector.shape_cast %mul3A_184 : vector<16xf32> to vector<16xf32>
    tpu.vector_store %arg11[%swap3A_185], %swap3A_188 {strides = array<i32>} : memref<32xf32, #tpu.memory_space<vmem>>, vector<16xf32>,
    %get3A_189 = arith.constant 16 : index
    %get3A_190 = tpu.vector_load %arg11[%get3A_189] {strides = array<i32>} : memref<32xf32, #tpu.memory_space<vmem>>, vector<16xf32>,
    %get3A_191 = vector.shape_cast %get3A_190 : vector<16xf32> to vector<16xf32>
    %mul3A_192 = arith.mulf %get3A_191, %get3A_191 : vector<16xf32>
    %sub3A_193 = arith.constant 1.000000e+00 : f32
    %sub3A_194 = vector.broadcast %sub3A_193 : f32 to vector<16xf32>
    %sub3A_195 = arith.subf %sub3A_194, %mul3A_192 : vector<16xf32>
    %max3A_196 = arith.constant 1.000000e-30 : f32
    %max3A_197 = vector.broadcast %max3A_196 : f32 to vector<16xf32>
    %max3A_198 = arith.maximumf %sub3A_195, %max3A_197 : vector<16xf32>
    %add3A_199 = arith.constant 1.000000e+00 : f32
    %add3A_200 = vector.broadcast %add3A_199 : f32 to vector<16xf32>
    %add3A_201 = arith.addf %max3A_198, %add3A_200 : vector<16xf32>
    %mul3A_202 = arith.constant 5.000000e-01 : f32
    %mul3A_203 = vector.broadcast %mul3A_202 : f32 to vector<16xf32>
    %mul3A_204 = arith.mulf %mul3A_203, %add3A_201 : vector<16xf32>
    %div3A_205 = arith.divf %max3A_198, %mul3A_204 : vector<16xf32>
    %add3A_206 = arith.addf %mul3A_204, %div3A_205 : vector<16xf32>
    %mul3A_207 = arith.constant 5.000000e-01 : f32
    %mul3A_208 = vector.broadcast %mul3A_207 : f32 to vector<16xf32>
    %mul3A_209 = arith.mulf %mul3A_208, %add3A_206 : vector<16xf32>
    %div3A_210 = arith.divf %max3A_198, %mul3A_209 : vector<16xf32>
    %add3A_211 = arith.addf %mul3A_209, %div3A_210 : vector<16xf32>
    %mul3A_212 = arith.constant 5.000000e-01 : f32
    %mul3A_213 = vector.broadcast %mul3A_212 : f32 to vector<16xf32>
    %mul3A_214 = arith.mulf %mul3A_213, %add3A_211 : vector<16xf32>
    %div3A_215 = arith.divf %max3A_198, %mul3A_214 : vector<16xf32>
    %add3A_216 = arith.addf %mul3A_214, %div3A_215 : vector<16xf32>
    %mul3A_217 = arith.constant 5.000000e-01 : f32
    %mul3A_218 = vector.broadcast %mul3A_217 : f32 to vector<16xf32>
    %mul3A_219 = arith.mulf %mul3A_218, %add3A_216 : vector<16xf32>
    %div3A_220 = arith.divf %max3A_198, %mul3A_219 : vector<16xf32>
    %add3A_221 = arith.addf %mul3A_219, %div3A_220 : vector<16xf32>
    %mul3A_222 = arith.constant 5.000000e-01 : f32
    %mul3A_223 = vector.broadcast %mul3A_222 : f32 to vector<16xf32>
    %mul3A_224 = arith.mulf %mul3A_223, %add3A_221 : vector<16xf32>
    %div3A_225 = arith.divf %max3A_198, %mul3A_224 : vector<16xf32>
    %add3A_226 = arith.addf %mul3A_224, %div3A_225 : vector<16xf32>
    %mul3A_227 = arith.constant 5.000000e-01 : f32
    %mul3A_228 = vector.broadcast %mul3A_227 : f32 to vector<16xf32>
    %mul3A_229 = arith.mulf %mul3A_228, %add3A_226 : vector<16xf32>
    %div3A_230 = arith.divf %max3A_198, %mul3A_229 : vector<16xf32>
    %add3A_231 = arith.addf %mul3A_229, %div3A_230 : vector<16xf32>
    %mul3A_232 = arith.constant 5.000000e-01 : f32
    %mul3A_233 = vector.broadcast %mul3A_232 : f32 to vector<16xf32>
    %mul3A_234 = arith.mulf %mul3A_233, %add3A_231 : vector<16xf32>
    %div3A_235 = arith.divf %max3A_198, %mul3A_234 : vector<16xf32>
    %add3A_236 = arith.addf %mul3A_234, %div3A_235 : vector<16xf32>
    %mul3A_237 = arith.constant 5.000000e-01 : f32
    %mul3A_238 = vector.broadcast %mul3A_237 : f32 to vector<16xf32>
    %mul3A_239 = arith.mulf %mul3A_238, %add3A_236 : vector<16xf32>
    %div3A_240 = arith.divf %max3A_198, %mul3A_239 : vector<16xf32>
    %add3A_241 = arith.addf %mul3A_239, %div3A_240 : vector<16xf32>
    %mul3A_242 = arith.constant 5.000000e-01 : f32
    %mul3A_243 = vector.broadcast %mul3A_242 : f32 to vector<16xf32>
    %mul3A_244 = arith.mulf %mul3A_243, %add3A_241 : vector<16xf32>
    %div3A_245 = arith.divf %max3A_198, %mul3A_244 : vector<16xf32>
    %add3A_246 = arith.addf %mul3A_244, %div3A_245 : vector<16xf32>
    %mul3A_247 = arith.constant 5.000000e-01 : f32
    %mul3A_248 = vector.broadcast %mul3A_247 : f32 to vector<16xf32>
    %mul3A_249 = arith.mulf %mul3A_248, %add3A_246 : vector<16xf32>
    %div3A_250 = arith.divf %max3A_198, %mul3A_249 : vector<16xf32>
    %add3A_251 = arith.addf %mul3A_249, %div3A_250 : vector<16xf32>
    %mul3A_252 = arith.constant 5.000000e-01 : f32
    %mul3A_253 = vector.broadcast %mul3A_252 : f32 to vector<16xf32>
    %mul3A_254 = arith.mulf %mul3A_253, %add3A_251 : vector<16xf32>
    %div3A_255 = arith.divf %max3A_198, %mul3A_254 : vector<16xf32>
    %add3A_256 = arith.addf %mul3A_254, %div3A_255 : vector<16xf32>
    %mul3A_257 = arith.constant 5.000000e-01 : f32
    %mul3A_258 = vector.broadcast %mul3A_257 : f32 to vector<16xf32>
    %mul3A_259 = arith.mulf %mul3A_258, %add3A_256 : vector<16xf32>
    %div3A_260 = arith.divf %max3A_198, %mul3A_259 : vector<16xf32>
    %add3A_261 = arith.addf %mul3A_259, %div3A_260 : vector<16xf32>
    %mul3A_262 = arith.constant 5.000000e-01 : f32
    %mul3A_263 = vector.broadcast %mul3A_262 : f32 to vector<16xf32>
    %mul3A_264 = arith.mulf %mul3A_263, %add3A_261 : vector<16xf32>
    %div3A_265 = arith.divf %max3A_198, %mul3A_264 : vector<16xf32>
    %add3A_266 = arith.addf %mul3A_264, %div3A_265 : vector<16xf32>
    %mul3A_267 = arith.constant 5.000000e-01 : f32
    %mul3A_268 = vector.broadcast %mul3A_267 : f32 to vector<16xf32>
    %mul3A_269 = arith.mulf %mul3A_268, %add3A_266 : vector<16xf32>
    %div3A_270 = arith.divf %max3A_198, %mul3A_269 : vector<16xf32>
    %add3A_271 = arith.addf %mul3A_269, %div3A_270 : vector<16xf32>
    %mul3A_272 = arith.constant 5.000000e-01 : f32
    %mul3A_273 = vector.broadcast %mul3A_272 : f32 to vector<16xf32>
    %mul3A_274 = arith.mulf %mul3A_273, %add3A_271 : vector<16xf32>
    %div3A_275 = arith.divf %max3A_198, %mul3A_274 : vector<16xf32>
    %add3A_276 = arith.addf %mul3A_274, %div3A_275 : vector<16xf32>
    %mul3A_277 = arith.constant 5.000000e-01 : f32
    %mul3A_278 = vector.broadcast %mul3A_277 : f32 to vector<16xf32>
    %mul3A_279 = arith.mulf %mul3A_278, %add3A_276 : vector<16xf32>
    %div3A_280 = arith.divf %max3A_198, %mul3A_279 : vector<16xf32>
    %add3A_281 = arith.addf %mul3A_279, %div3A_280 : vector<16xf32>
    %mul3A_282 = arith.constant 5.000000e-01 : f32
    %mul3A_283 = vector.broadcast %mul3A_282 : f32 to vector<16xf32>
    %mul3A_284 = arith.mulf %mul3A_283, %add3A_281 : vector<16xf32>
    %div3A_285 = arith.divf %max3A_198, %mul3A_284 : vector<16xf32>
    %add3A_286 = arith.addf %mul3A_284, %div3A_285 : vector<16xf32>
    %mul3A_287 = arith.constant 5.000000e-01 : f32
    %mul3A_288 = vector.broadcast %mul3A_287 : f32 to vector<16xf32>
    %mul3A_289 = arith.mulf %mul3A_288, %add3A_286 : vector<16xf32>
    %div3A_290 = arith.divf %max3A_198, %mul3A_289 : vector<16xf32>
    %add3A_291 = arith.addf %mul3A_289, %div3A_290 : vector<16xf32>
    %mul3A_292 = arith.constant 5.000000e-01 : f32
    %mul3A_293 = vector.broadcast %mul3A_292 : f32 to vector<16xf32>
    %mul3A_294 = arith.mulf %mul3A_293, %add3A_291 : vector<16xf32>
    %div3A_295 = arith.divf %max3A_198, %mul3A_294 : vector<16xf32>
    %add3A_296 = arith.addf %mul3A_294, %div3A_295 : vector<16xf32>
    %mul3A_297 = arith.constant 5.000000e-01 : f32
    %mul3A_298 = vector.broadcast %mul3A_297 : f32 to vector<16xf32>
    %mul3A_299 = arith.mulf %mul3A_298, %add3A_296 : vector<16xf32>
    %div3A_300 = arith.divf %max3A_198, %mul3A_299 : vector<16xf32>
    %add3A_301 = arith.addf %mul3A_299, %div3A_300 : vector<16xf32>
    %mul3A_302 = arith.constant 5.000000e-01 : f32
    %mul3A_303 = vector.broadcast %mul3A_302 : f32 to vector<16xf32>
    %mul3A_304 = arith.mulf %mul3A_303, %add3A_301 : vector<16xf32>
    %div3A_305 = arith.divf %max3A_198, %mul3A_304 : vector<16xf32>
    %add3A_306 = arith.addf %mul3A_304, %div3A_305 : vector<16xf32>
    %mul3A_307 = arith.constant 5.000000e-01 : f32
    %mul3A_308 = vector.broadcast %mul3A_307 : f32 to vector<16xf32>
    %mul3A_309 = arith.mulf %mul3A_308, %add3A_306 : vector<16xf32>
    %div3A_310 = arith.divf %max3A_198, %mul3A_309 : vector<16xf32>
    %add3A_311 = arith.addf %mul3A_309, %div3A_310 : vector<16xf32>
    %mul3A_312 = arith.constant 5.000000e-01 : f32
    %mul3A_313 = vector.broadcast %mul3A_312 : f32 to vector<16xf32>
    %mul3A_314 = arith.mulf %mul3A_313, %add3A_311 : vector<16xf32>
    %mul3A_315 = arith.constant 0.87758255 : f32
    %mul3A_316 = vector.broadcast %mul3A_315 : f32 to vector<16xf32>
    %mul3A_317 = arith.mulf %get3A_191, %mul3A_316 : vector<16xf32>
    %mul3A_318 = arith.constant 0.47942555 : f32
    %mul3A_319 = vector.broadcast %mul3A_318 : f32 to vector<16xf32>
    %mul3A_320 = arith.mulf %mul3A_314, %mul3A_319 : vector<16xf32>
    %sub3A_321 = arith.subf %mul3A_317, %mul3A_320 : vector<16xf32>
    %mul3A_322 = arith.constant 6.400000e+01 : f32
    %mul3A_323 = vector.broadcast %mul3A_322 : f32 to vector<16xf32>
    %mul3A_324 = arith.mulf %sub3A_321, %mul3A_323 : vector<16xf32>
    %swap3A_325 = arith.constant 16 : index
    %swap3A_326 = tpu.vector_load %arg11[%swap3A_325] {strides = array<i32>} : memref<32xf32, #tpu.memory_space<vmem>>, vector<16xf32>,
    %swap3A_327 = vector.shape_cast %swap3A_326 : vector<16xf32> to vector<16xf32>
    %swap3A_328 = vector.shape_cast %mul3A_324 : vector<16xf32> to vector<16xf32>
    tpu.vector_store %arg11[%swap3A_325], %swap3A_328 {strides = array<i32>} : memref<32xf32, #tpu.memory_space<vmem>>, vector<16xf32>,
    %dma_start3A_329 = arith.constant 0 : i32
    %dma_start3A_330 = tpu.memref_slice %arg4[%dma_start3A_329] : memref<102400000xf32, #tpu.memory_space<hbm>> -> memref<102400000xf32, #tpu.memory_space<hbm>>
    tpu.enqueue_indirect_dma source(%arg11 : memref<32xf32, #tpu.memory_space<vmem>>) target(%dma_start3A_330 : memref<102400000xf32, #tpu.memory_space<hbm>>) offsets(%arg10 : memref<32xi32, #tpu.memory_space<vmem>>) semaphore(%arg16 : memref<!tpu.dma_semaphore, #tpu.memory_space<semaphore_mem>>)
    %dma_wait3A_331 = arith.constant 0 : i32
    %dma_wait3A_332 = tpu.memref_slice %arg4[%dma_wait3A_331] : memref<102400000xf32, #tpu.memory_space<hbm>> -> memref<102400000xf32, #tpu.memory_space<hbm>>
    tpu.wait_indirect_dma semaphore(%arg16 : memref<!tpu.dma_semaphore, #tpu.memory_space<semaphore_mem>>) src(%arg11 : memref<32xf32, #tpu.memory_space<vmem>>) dst(%dma_wait3A_332 : memref<102400000xf32, #tpu.memory_space<hbm>>)
    return
  }
}

</mosaic_0001>

<sc_bundles>
// kernel: kernel.3.cloned.1.call-start
scs
__scs_entry_jumppad:
0x0: {  	(pc) =	sbr.rel $0x88, $3  }
0x1: {  	(tag) =	ssettag $0x0;
	lr =	simm.s32 $0x1  }
0x2: {  	[smem:$0x3F9F] =	sst lr;
	_ =	strace $0xD0000000  }
0x3: {  	_ = 	snop  }
0x4: {  	_ = 	snop  }
0x5: {  	_ = 	snop  }
0x6: {  	_ = 	snop  }
0x7: {  	_ = 	snop  }
__scs_overlays_trampoline_lowered:
0x8: {  	[smem:$0x3FAE] =	sst s0  }
0x9: {  	[smem:$0x3FAF] =	sst s1  }
0xa: {  	[smem:$0x3FB0] =	sst s2  }
0xb: {  	[smem:$0x3FB1] =	sst s3  }
0xc: {  	[smem:$0x3FB2] =	sst s4  }
0xd: {  	[smem:$0x3FB3] =	sst s5  }
0xe: {  	[smem:$0x3FB4] =	sst s6  }
0xf: {  	[smem:$0x3FB5] =	sst s7  }
0x10: {  	[smem:$0x3FB6] =	sst s8  }
0x11: {  	[smem:$0x3FB7] =	sst s9;
	s0 =	simm.s32 @!p0 $0x0  }
0x12: {  	s1 =	sld [smem:$0x3F9D];
	s0 =	simm.s32 @p0 $0x1  }
0x13: {  	[smem:$0x3FB8] =	sst s0;
	s0 =	simm.s32 @!p1 $0x0  }
0x14: {  	s2 =	sld [smem:$0x3F9C];
	s0 =	simm.s32 @p1 $0x1  }
0x15: {  	[smem:$0x3FB9] =	sst s0;
	s0 =	simm.s32 @!p2 $0x0  }
0x16: {  	s3 =	sld [smem:$0x3FDB];
	s0 =	simm.s32 @p2 $0x1  }
0x17: {  	s4 =	simm.s32 $0x1BF5;
	[smem:$0x3FBB] =	sst s0  }
0x18: {  	s0 =	sld [smem:$0x3F9E];
	_ =	swait.ge [sflag:s4], $0x0  }
0x19: {  	s7 =	sld [smem:$0x3F9F]  }
0x1a: {  	s8 =	sadd.s32 $0xFFFFE003, lr  }
0x1b: {  	s9 =	sadd.s32 $0xFFFFFEF7, lr;
	s5 =	simm.s32 $0xFFFFFFFF;
	p2 =	slt.u32 s8, $0xFFFFF086  }
0x1c: {  	p1 =	slt.u32 s9, $0xF7A;
	s5 =	simm.s32 @!p2 $0x0  }
0x1d: {  	s5 =	simm.s32 @p1 $0x1;
	p0 =	seq.s32 s7, s2  }
0x1e: {  	s7 =	smul.u32 @!p0 $0xF7A, s2;
	p2 =	seq.s32 @!p0 s5, $0x0  }
0x1f: {  	s9 =	smul.u32 $0xF7A, s1;
	s8 =	simm.s32 @!p0 $0x1BF5;
	p2 =	por !p2, p0  }
0x20: {  	[sflag:s8] =	ssyncset.s32 @!p0 $0xFFFFF086;
	s6 =	sadd.s32 @!p0 s3, s7;
	s7 =	simm.s32 @!p0 $0x108  }
0x21: {  	s3 =	sadd.s32 s3, s9;
	s6 =	sadd.s32 @!p0 $0x88, s6;
	s7 =	simm.s32 @p2 $0x1082  }
0x22: {  	[simem:s7], [sflag:s8] =	dma.local @!p0 [hbm:s6], $0xF7A  }
0x23: {  	s9 =	sor.u32 $0xD0000000, s2;
	s6 =	simm.s32 $0x108;
	_ =	swait.ge @!p0 [sflag:s8], $0x0  }
0x24: {  	s3 =	sadd.s32 $0x88, s3;
	s6 =	simm.s32 @!p1 $0x1082;
	[sflag:s4] =	ssyncset.s32 $0xFFFFF086  }
0x25: {  	[simem:s6], [sflag:s4] =	dma.local [hbm:s3], $0xF7A  }
0x26: {  	[smem:$0x3F9F] =	sst s1;
	(tag) =	ssettag s2;
	_ =	strace s9  }
0x27: {  	s1 =	sld [smem:$0x3FAF]  }
0x28: {  	s2 =	sld [smem:$0x3FB0]  }
0x29: {  	s4 =	sld [smem:$0x3FB2]  }
0x2a: {  	p0 =	seq.s32 s5, $0x0;
	s5 =	sld [smem:$0x3FB3]  }
0x2b: {  	s6 =	sld [smem:$0x3FB4]  }
0x2c: {  	s7 =	sld [smem:$0x3FB5]  }
0x2d: {  	s3 =	simm.s32 $0x108;
	s8 =	sld [smem:$0x3FB6]  }
0x2e: {  	s3 =	simm.s32 @!p0 $0x1082;
	s9 =	sld [smem:$0x3FB7]  }
0x2f: {  	lr =	sadd.s32 s0, s3;
	s0 =	sld [smem:$0x3FAE]  }
0x30: {  	s3 =	sld [smem:$0x3FB1]  }
0x31: {  	[smem:$0x3FBA] =	sst s10  }
0x32: {  	s10 =	sld [smem:$0x3FB8];
	_ =	sdelay $0x3  }
0x33: {  	p0 =	seq.s32 s10, $0x1;
	s10 =	sld [smem:$0x3FBA];
	_ =	sdelay $0x3  }
0x34: {  	[smem:$0x3FBA] =	sst s10  }
0x35: {  	s10 =	sld [smem:$0x3FB9];
	_ =	sdelay $0x3  }
0x36: {  	p1 =	seq.s32 s10, $0x1;
	s10 =	sld [smem:$0x3FBA];
	_ =	sdelay $0x3  }
0x37: {  	[smem:$0x3FBA] =	sst s10  }
0x38: {  	s10 =	sld [smem:$0x3FBB]  }
0x39: {  	_ = 	snop;
	(pc) =	sbr.ind lr, $3  }
0x3a: {  	_ = 	snop  }
0x3b: {  	_ = 	snop  }
0x3c: {  	p2 =	seq.s32 s10, $0x1;
	s10 =	sld [smem:$0x3FBA]  }
0x3d: {  	_ =	shalt  }
0x3e: {  	_ =	shalt  }
0x3f: {  	_ =	shalt  }
0x40: {  	_ =	shalt  }
0x41: {  	_ =	shalt  }
0x42: {  	_ =	shalt  }
0x43: {  	_ =	shalt  }
0x44: {  	_ =	shalt  }
0x45: {  	_ =	shalt  }
0x46: {  	_ =	shalt  }
0x47: {  	_ =	shalt  }
0x48: {  	_ =	shalt  }
0x49: {  	_ =	shalt  }
0x4a: {  	_ =	shalt  }
0x4b: {  	_ =	shalt  }
0x4c: {  	_ =	shalt  }
0x4d: {  	_ =	shalt  }
0x4e: {  	_ =	shalt  }
0x4f: {  	_ =	shalt  }
0x50: {  	_ =	shalt  }
0x51: {  	_ =	shalt  }
0x52: {  	_ =	shalt  }
0x53: {  	_ =	shalt  }
0x54: {  	_ =	shalt  }
0x55: {  	_ =	shalt  }
0x56: {  	_ =	shalt  }
0x57: {  	_ =	shalt  }
0x58: {  	_ =	shalt  }
0x59: {  	_ =	shalt  }
0x5a: {  	_ =	shalt  }
0x5b: {  	_ =	shalt  }
0x5c: {  	_ =	shalt  }
0x5d: {  	_ =	shalt  }
0x5e: {  	_ =	shalt  }
0x5f: {  	_ =	shalt  }
0x60: {  	_ =	shalt  }
0x61: {  	_ =	shalt  }
0x62: {  	_ =	shalt  }
0x63: {  	_ =	shalt  }
0x64: {  	_ =	shalt  }
0x65: {  	_ =	shalt  }
0x66: {  	_ =	shalt  }
0x67: {  	_ =	shalt  }
0x68: {  	_ =	shalt  }
0x69: {  	_ =	shalt  }
0x6a: {  	_ =	shalt  }
0x6b: {  	_ =	shalt  }
0x6c: {  	_ =	shalt  }
0x6d: {  	_ =	shalt  }
0x6e: {  	_ =	shalt  }
0x6f: {  	_ =	shalt  }
0x70: {  	_ =	shalt  }
0x71: {  	_ =	shalt  }
0x72: {  	_ =	shalt  }
0x73: {  	_ =	shalt  }
0x74: {  	_ =	shalt  }
0x75: {  	_ =	shalt  }
0x76: {  	_ =	shalt  }
0x77: {  	_ =	shalt  }
0x78: {  	_ =	shalt  }
0x79: {  	_ =	shalt  }
0x7a: {  	_ =	shalt  }
0x7b: {  	_ =	shalt  }
0x7c: {  	_ =	shalt  }
0x7d: {  	_ =	shalt  }
0x7e: {  	_ =	shalt  }
0x7f: {  	_ =	shalt  }
0x80: {  	_ =	shalt  }
0x81: {  	_ =	shalt  }
0x82: {  	_ =	shalt  }
0x83: {  	_ =	shalt  }
0x84: {  	_ =	shalt  }
0x85: {  	_ =	shalt  }
0x86: {  	_ =	shalt  }
0x87: {  	_ =	shalt  }
.Lfunc_end0:
.L_simem_size_0:
called_computation.1_lowered:
.L_overlay_start_0:
0x88: {  	s2 =	sld [smem:$0x3FD9]  }
0x89: {  	s3 =	sld [smem:$0x3FFE];
	_ =	sdelay $0x1  }
0x8a: {  	s1 =	srdreg.scid  }
0x8b: {  	s0 =	sand.u32 $0x1, s1  }
0x8c: {  	s17 =	sshll.u32 s0, $0xA;
	s2 =	sadd.s32 s3, s2  }
0x8d: {  	s2 =	sadd.s32 s2, s17  }
0x8e: {  	[smem:$0x3FC6] =	sst s2  }
0x8f: {  	_ = 	snop  }
0x90: {  	s2 =	sld [smem:$0x3FC8]  }
0x91: {  	s18 =	sld [smem:$0x3FD0];
	(tm) =	ssettm $0x1  }
0x92: {  	s4 =	sld [smem:$0x3FFB];
	_ =	sdelay $0x3  }
0x93: {  	_ =	strace s4  }
0x94: {  	s4 =	sld [smem:$0x3FFC];
	_ =	sdelay $0x3  }
0x95: {  	_ =	strace s4  }
0x96: {  	s4 =	sld [smem:$0x3FFD];
	_ =	sdelay $0x3  }
0x97: {  	_ =	strace s4  }
0x98: {  	_ =	strace $0x8FFFFFFF  }
0x99: {  	s19 =	sld [smem:$0x3FDB];
	_ =	sdelay $0x1  }
0x9a: {  	s5 =	simm.s32 $_scs_section_size  }
0x9b: {  	s6 =	simm.s32 $_size__tile_overlayer_lowered;
	s7 =	simm.s32 $_tile_overlayer_lowered  }
0x9c: {  	s22 =	simm.s32 $0x1BFF;
	s21 =	sshll.u32 s7, $0x1;
	s4 =	sadd.s32 s5, s19  }
0x9d: {  	s8 =	simm.s32 $0x0;
	s20 =	sshll.u32 s6, $0x1;
	s6 =	sadd.s32 s21, s4  }
0x9e: {  	[timem:s8], [sflag:s22] =	dma.local [hbm:s6], s20  }
0x9f: {  	_ =	swait.ge [sflag:s22], s20  }
0xa0: {  	s5 =	ssub.s32 $0x0, s20;
	[sflag:s22] =	ssyncset.done $0x0  }
0xa1: {  	[sflag:s22] =	ssyncadd.s32 s5;
	_ =	sdelay $0x1  }
0xa2: {  	s23 =	simm.s32 $0x1B8B  }
0xa3: {  	_ =	swait.ge [sflag:s23], $0x1  }
0xa4: {  	[sflag:s23] =	ssyncset.done $0x0  }
0xa5: {  	s25 =	simm.s32 $0x1B8E;
	s24 =	sld [smem:$0x3FFE];
	[sflag:s23] =	ssyncadd.s32 $0xFFFFFFFF  }
0xa6: {  	s26 =	simm.s32 $execute0_lowered;
	[smem:$0x3FD2] =	sst s25  }
0xa7: {  	s6 =	sshll.u32 s26, $0x1;
	_ =	strace $0x80000046;
	[dreg:$0x1] =	wrdreg $0xFFFFFFFF  }
0xa8: {  	s28 =	simm.s32 $_size_execute0_lowered;
	s4 =	sadd.s32 s4, s6;
	[dreg:$0x0] =	wrdreg $0x0  }
0xa9: {  	s6 =	sshll.u32 s28, $0x1;
	[dreg:$0x2] =	wrdreg s4  }
0xaa: {  	[dreg:$0x3] =	wrdreg s6  }
0xab: {  	[dreg:$0x4] =	wrdreg $0xC0  }
0xac: {  	_ =	task [dreg:s8], $0x5FFFF  }
0xad: {  	[dreg:$0x1] =	wrdreg $0xFFFFFFFF  }
0xae: {  	[dreg:$0x0] =	wrdreg $0x60  }
0xaf: {  	[dreg:$0x2] =	wrdreg s18  }
0xb0: {  	[dreg:$0x3] =	wrdreg s2  }
0xb1: {  	[dreg:$0x4] =	wrdreg s24  }
0xb2: {  	[dreg:$0x5] =	wrdreg $0x9  }
0xb3: {  	_ =	task.clear_ibuf [dreg:s8], $0x6FFFF;
	_ =	strace $0x90000046  }
0xb4: {  	s29 =	simm.s32 $0x9;
	_ =	strace $0x80000048  }
0xb5: {  	_ =	swait.ge [sflag:s29], $0x1  }
0xb6: {  	[sflag:s29] =	ssyncadd.s32 $0xFFFFFFFF  }
0xb7: {  	_ =	strace $0x90000048  }
0xb8: {  	_ =	sfence  }
0xb9: {  	s30 =	sld [smem:$0x0];
	_ =	sdelay $0x2  }
0xba: {  	s31 =	sshll.u32 s1, $0xD;
	s1 =	sshrl.u32 s1, $0x2  }
0xbb: {  	s3 =	sand.u32 $0x4000, s31;
	s1 =	sadd.s32 s1, s30  }
0xbc: {  	s0 =	sor.u32 s3, s0;
	s1 =	sshll.u32 s1, $0x11  }
0xbd: {  	s0 =	sor.u32 s1, s0  }
0xbe: {  	s0 =	sadd.s32 $0x8F2B, s0  }
0xbf: {  	[sflag:s0] =	ssyncadd.remote.s32 $0x1  }
0xc0: {  	_ =	sfence.sel $0xFFFF  }
0xc1: {  	[dreg:$0x0] =	wrdreg $0xFFFFFFFF;
	(pc) =	sbr.abs _section_cstart, $3  }
0xc2: {  	[dreg:$0x1] =	wrdreg $0xFFFFFFFF  }
0xc3: {  	_ =	task.clear_ibuf [dreg:s8], $0x2FFFF;
	_ =	strace $0x9FFFFFFF  }
0xc4: {  	(tm) =	ssettm $0x7FFFFFFF  }
0xc5: {  	_ =	shalt  }
tec
execute0_lowered:
.L_overlay_start_1:
0x0: {  	(tag) =	ssettag $0x1  }
0x1: {  	s2 =	rddreg [dreg:$0x0]  }
0x2: {  	s0 =	rddreg [dreg:$0x1]  }
0x3: {  	s5 =	rddreg [dreg:$0x2];
	s3 =	srdreg.scid  }
0x4: {  	s1 =	stileid.u32;
	s14 =	simm.s32 $0x2;
	s15 =	simm.s32 $0xEB80  }
0x5: {  	s16 =	simm.s32 $0x3;
	s17 =	simm.s32 $0x4;
	s18 =	simm.s32 $0x13A00  }
0x6: {  	s19 =	simm.s32 $0x6;
	s4 =	sand.u32 $0x1, s3;
	s6 =	sshll.u32 s1, $0x1  }
0x7: {  	s20 =	simm.s32 $0x20;
	s21 =	simm.s32 $0x13A80;
	s8 =	sor.u32 s4, s6  }
0x8: {  	s22 =	simm.s32 $0x13B00;
	s23 =	simm.s32 $0x5;
	s11 =	sshll.u32 s8, $0x5  }
0x9: {  	s24 =	simm.s32 $0x0;
	s3 =	simm.s32 $0x0;
	s13 =	sor.u32 $0x10, s11  }
0xa: {  	s5 =	sadd.s32 $0x800, s5;
	s7 =	ssub.s32 $0x2, s4;
	[smem:$0x7FF] =	sst s3;
	v0 =	vmov s11;
	v1 =	vmov s13  }
0xb: {  	s30 =	sshrl.u32 s7, $0x1;
	s4 =	smul.u32 $0x30D400, s8;
	_ =	strace $0x80000047;
	v0 =	vmul.u32 $0x186A0, v0;
	v1 =	vmul.u32 $0x186A0, v1  }
0xc: {  	v2 =	vlaneseq.u32;
	s12 =	sshll.u32 s8, $0x2;
	s10 =	ssub.s32 s7, s30;
	s11 =	simm.s32 $0x4E80  }
0xd: {  	v2 =	vmul.u32 $0x186A0, v2;
	s31 =	sshrl.u32 s4, $0x3;
	s6 =	sadd.s32 $0x4E20, s4;
	s10 =	smax.u32 s10, $0x1;
	v0 =	vbroadcast v0, $0x0;
	v1 =	vbroadcast v1, $0x0  }
0xe: {  	s13 =	simm.s32 $0x9D00;
	s9 =	sshrl.u32 s6, $0x3;
	s7 =	sadd.s32 s2, s31  }
0xf: {  	s8 =	sadd.s32 s2, s9;
	s9 =	sadd.s32 s0, s12;
	s12 =	simm.s32 $0x1;
	v0 =	vadd.s32 v2, v0;
	v1 =	vadd.s32 v2, v1  }
.LBB2_1:
0x10: {  	[tilespmem:s3], [sflag:$0x1] =	stream.linear.gather [hbm4b:s7+s3], $0x4E20, $0x38;
	[tilespmem:$0x13B80] =	vst v63  }
0x11: {  	s25 =	simm.s32 $0x0  }
0x12: {  	[tilespmem:s11], [sflag:$0x2] =	stream.linear.gather [hbm4b:s8+s3], $0x4E20, $0x38;
	[tilespmem:$0x13B80] =	vst v63  }
.LBB2_2:
0x13: {  	_ =	swait.ge [sflag:s12], $0x4E20  }
0x14: {  	p1 =	seq.s32 s25, $0x0;
	[sflag:s12] =	ssyncset.done $0x0  }
0x15: {  	s0 =	simm.s32 @!p1 $0x3;
	[sflag:s12] =	ssyncadd.s32 $0xFFFFB1E0  }
0x16: {  	_ =	swait.ge @!p1 [sflag:s0], $0x4E20  }
0x17: {  	[sflag:s0] =	ssyncset.done @!p1 $0x0  }
0x18: {  	s1 =	simm.s32 $0x50;
	[sflag:s0] =	ssyncadd.s32 @!p1 $0xFFFFB1E0  }
0x19: {  	v2 =	vld [tilespmem:s1+$0xFFFFFFB0];
	_ =	sdelay $0x4  }
0x1a: {  	v2 =	vmul.f32 $6.400000000e+01, v2  }
0x1b: {  	s29 =	simm.s32 $0x9D50  }
0x1c: {  	[tilespmem:s29+$0xFFFFFFB0] =	vst v2  }
0x1d: {  	v2 =	vld [tilespmem:s1+$0xFFFFFFC0];
	_ =	sdelay $0x4  }
0x1e: {  	v2 =	vmul.f32 $6.400000000e+01, v2;
	_ =	sdelay $0x1  }
0x1f: {  	[tilespmem:s29+$0xFFFFFFC0] =	vst v2  }
0x20: {  	v2 =	vld [tilespmem:s1+$0xFFFFFFD0];
	_ =	sdelay $0x4  }
0x21: {  	v2 =	vmul.f32 $6.400000000e+01, v2;
	_ =	sdelay $0x1  }
0x22: {  	[tilespmem:s29+$0xFFFFFFD0] =	vst v2  }
0x23: {  	v2 =	vld [tilespmem:s1+$0xFFFFFFE0];
	_ =	sdelay $0x4  }
0x24: {  	v2 =	vmul.f32 $6.400000000e+01, v2;
	_ =	sdelay $0x1  }
0x25: {  	[tilespmem:s29+$0xFFFFFFE0] =	vst v2  }
0x26: {  	v2 =	vld [tilespmem:s1+$0xFFFFFFF0];
	_ =	sdelay $0x4  }
0x27: {  	v2 =	vmul.f32 $6.400000000e+01, v2;
	_ =	sdelay $0x1  }
0x28: {  	[tilespmem:s29+$0xFFFFFFF0] =	vst v2  }
0x29: {  	v2 =	vld [tilespmem:s1+$0x0];
	_ =	sdelay $0x4  }
0x2a: {  	v2 =	vmul.f32 $6.400000000e+01, v2;
	_ =	sdelay $0x1  }
0x2b: {  	[tilespmem:s29+$0x0] =	vst v2  }
0x2c: {  	v2 =	vld [tilespmem:s1+$0x10];
	_ =	sdelay $0x4  }
0x2d: {  	v2 =	vmul.f32 $6.400000000e+01, v2;
	_ =	sdelay $0x1  }
0x2e: {  	[tilespmem:s29+$0x10] =	vst v2  }
0x2f: {  	v2 =	vld [tilespmem:s1+$0x20];
	_ =	sdelay $0x4  }
0x30: {  	v2 =	vmul.f32 $6.400000000e+01, v2  }
0x31: {  	s26 =	simm.s32 $0x0  }
0x32: {  	s26 =	sand.u32 $0x7FE0, s26;
	[tilespmem:s29+$0x20] =	vst v2  }
0x33: {  	v2 =	vld [tilespmem:s26+$0x80];
	_ =	sdelay $0x4  }
0x34: {  	v2 =	vmul.f32 $6.400000000e+01, v2;
	_ =	sdelay $0x1  }
0x35: {  	[tilespmem:s26+$0x9D80] =	vst v2  }
0x36: {  	v2 =	vld [tilespmem:s1+$0x40];
	_ =	sdelay $0x4  }
0x37: {  	v2 =	vmul.f32 $6.400000000e+01, v2  }
0x38: {  	s26 =	smul.u32 $0x9C40, s25  }
0x39: {  	s30 =	simm.s32 $0xF0;
	[tilespmem:s29+$0x40] =	vst v2  }
0x3a: {  	s31 =	simm.s32 $0xA0;
	s0 =	simm.s32 $0x140;
	s28 =	sadd.s32 s4, s26;
	v2 =	vld [tilespmem:s30+$0xFFFFFFB0]  }
.LBB2_3:
0x3b: {  	p0 =	sne.s32 s0, $0x4D80;
	_ =	sdelay $0x3  }
0x3c: {  	v2 =	vmul.f32 $6.400000000e+01, v2  }
0x3d: {  	s29 =	sadd.s32 $0xA0, s29  }
0x3e: {  	[tilespmem:s29+$0xFFFFFFB0] =	vst v2  }
0x3f: {  	v2 =	vld [tilespmem:s30+$0xFFFFFFC0];
	_ =	sdelay $0x4  }
0x40: {  	v2 =	vmul.f32 $6.400000000e+01, v2;
	_ =	sdelay $0x1  }
0x41: {  	[tilespmem:s29+$0xFFFFFFC0] =	vst v2  }
0x42: {  	v2 =	vld [tilespmem:s30+$0xFFFFFFD0];
	_ =	sdelay $0x4  }
0x43: {  	v2 =	vmul.f32 $6.400000000e+01, v2;
	_ =	sdelay $0x1  }
0x44: {  	[tilespmem:s29+$0xFFFFFFD0] =	vst v2  }
0x45: {  	v2 =	vld [tilespmem:s30+$0xFFFFFFE0];
	_ =	sdelay $0x4  }
0x46: {  	v2 =	vmul.f32 $6.400000000e+01, v2;
	_ =	sdelay $0x1  }
0x47: {  	[tilespmem:s29+$0xFFFFFFE0] =	vst v2  }
0x48: {  	v2 =	vld [tilespmem:s30+$0xFFFFFFF0];
	_ =	sdelay $0x4  }
0x49: {  	v2 =	vmul.f32 $6.400000000e+01, v2;
	_ =	sdelay $0x1  }
0x4a: {  	[tilespmem:s29+$0xFFFFFFF0] =	vst v2  }
0x4b: {  	v2 =	vld [tilespmem:s30+$0x0];
	_ =	sdelay $0x4  }
0x4c: {  	v2 =	vmul.f32 $6.400000000e+01, v2;
	_ =	sdelay $0x1  }
0x4d: {  	[tilespmem:s29+$0x0] =	vst v2  }
0x4e: {  	v2 =	vld [tilespmem:s30+$0x10];
	_ =	sdelay $0x4  }
0x4f: {  	v2 =	vmul.f32 $6.400000000e+01, v2;
	_ =	sdelay $0x1  }
0x50: {  	[tilespmem:s29+$0x10] =	vst v2  }
0x51: {  	v2 =	vld [tilespmem:s30+$0x20];
	_ =	sdelay $0x4  }
0x52: {  	v2 =	vmul.f32 $6.400000000e+01, v2;
	_ =	sdelay $0x1  }
0x53: {  	s1 =	sand.u32 $0x7FE0, s31;
	s31 =	smov.u32 s0;
	[tilespmem:s29+$0x20] =	vst v2  }
0x54: {  	v2 =	vld [tilespmem:s1+$0x80];
	_ =	sdelay $0x4  }
0x55: {  	v2 =	vmul.f32 $6.400000000e+01, v2;
	_ =	sdelay $0x1  }
0x56: {  	[tilespmem:s1+$0x9D80] =	vst v2  }
0x57: {  	v2 =	vld [tilespmem:s30+$0x40];
	_ =	sdelay $0x3  }
.Ltmp0:
0x58: {  	(pc) =	sbr.rel @p0 .LBB2_3-.Ltmp0, $3  }
0x59: {  	v2 =	vmul.f32 $6.400000000e+01, v2;
	_ =	sdelay $0x1  }
0x5a: {  	s30 =	sadd.s32 $0xA0, s30;
	[tilespmem:s29+$0x40] =	vst v2  }
0x5b: {  	s0 =	sadd.s32 $0xA0, s0;
	v2 =	vld [tilespmem:s30+$0xFFFFFFB0]  }
0x5c: {  	_ =	sdelay $0x3  }
0x5d: {  	v2 =	vmul.f32 $6.400000000e+01, v2  }
0x5e: {  	s0 =	sadd.s32 $0xA0, s29  }
0x5f: {  	[tilespmem:s0+$0xFFFFFFB0] =	vst v2  }
0x60: {  	v2 =	vld [tilespmem:s30+$0xFFFFFFC0];
	_ =	sdelay $0x4  }
0x61: {  	v2 =	vmul.f32 $6.400000000e+01, v2;
	_ =	sdelay $0x1  }
0x62: {  	[tilespmem:s0+$0xFFFFFFC0] =	vst v2  }
0x63: {  	v2 =	vld [tilespmem:s30+$0xFFFFFFD0];
	_ =	sdelay $0x4  }
0x64: {  	v2 =	vmul.f32 $6.400000000e+01, v2;
	_ =	sdelay $0x1  }
0x65: {  	[tilespmem:s0+$0xFFFFFFD0] =	vst v2  }
0x66: {  	v2 =	vld [tilespmem:s30+$0xFFFFFFE0];
	_ =	sdelay $0x4  }
0x67: {  	v2 =	vmul.f32 $6.400000000e+01, v2;
	_ =	sdelay $0x1  }
0x68: {  	[tilespmem:s0+$0xFFFFFFE0] =	vst v2  }
0x69: {  	v2 =	vld [tilespmem:s30+$0xFFFFFFF0];
	_ =	sdelay $0x4  }
0x6a: {  	v2 =	vmul.f32 $6.400000000e+01, v2;
	_ =	sdelay $0x1  }
0x6b: {  	[tilespmem:s0+$0xFFFFFFF0] =	vst v2  }
0x6c: {  	v2 =	vld [tilespmem:s30+$0x0];
	_ =	sdelay $0x4  }
0x6d: {  	v2 =	vmul.f32 $6.400000000e+01, v2;
	_ =	sdelay $0x1  }
0x6e: {  	[tilespmem:s0+$0x0] =	vst v2  }
0x6f: {  	v2 =	vld [tilespmem:s30+$0x10];
	_ =	sdelay $0x4  }
0x70: {  	v2 =	vmul.f32 $6.400000000e+01, v2;
	_ =	sdelay $0x1  }
0x71: {  	[tilespmem:s0+$0x10] =	vst v2  }
0x72: {  	v2 =	vld [tilespmem:s30+$0x20];
	_ =	sdelay $0x4  }
0x73: {  	v2 =	vmul.f32 $6.400000000e+01, v2;
	_ =	sdelay $0x1  }
0x74: {  	s1 =	sand.u32 $0x7FE0, s31;
	[tilespmem:s0+$0x20] =	vst v2  }
0x75: {  	v2 =	vld [tilespmem:s1+$0x80];
	_ =	sdelay $0x4  }
0x76: {  	v2 =	vmul.f32 $6.400000000e+01, v2;
	_ =	sdelay $0x1  }
0x77: {  	[tilespmem:s1+$0x9D80] =	vst v2  }
0x78: {  	v2 =	vld [tilespmem:s30+$0x40];
	_ =	sdelay $0x3  }
0x79: {  	p0 =	seq.s32 s25, $0x4F  }
0x7a: {  	s1 =	sshrl.u32 @!p0 s28, $0x3;
	v2 =	vmul.f32 $6.400000000e+01, v2  }
0x7b: {  	s1 =	sadd.s32 @!p0 s2, s1  }
0x7c: {  	[tilespmem:s0+$0x40] =	vst v2;
	s0 =	sadd.s32 @!p0 $0x1388, s1;
	s1 =	simm.s32 @!p0 $0x0  }
0x7d: {  	[tilespmem:s1], [sflag:$0x1] =	stream.linear.gather @!p0 [hbm4b:s0+s1], $0x4E20, $0x38;
	[tilespmem:$0x13B80] =	vst v63  }
0x7e: {  	s1 =	sshrl.u32 s28, $0x3  }
0x7f: {  	s0 =	sadd.s32 s5, s1  }
0x80: {  	[hbm4b:s0+s3] =	stream.linear.scatter [tilespmem:s13], [sflag:$0x3], $0x4E20, $0x38;
	[tilespmem:$0x13B80] =	vst v63  }
0x81: {  	_ =	swait.ge [sflag:s14], $0x4E20  }
0x82: {  	[sflag:s14] =	ssyncset.done $0x0  }
0x83: {  	s0 =	simm.s32 @!p1 $0x4;
	[sflag:s14] =	ssyncadd.s32 $0xFFFFB1E0  }
0x84: {  	_ =	swait.ge @!p1 [sflag:s0], $0x4E20  }
0x85: {  	[sflag:s0] =	ssyncset.done @!p1 $0x0  }
0x86: {  	[sflag:s0] =	ssyncadd.s32 @!p1 $0xFFFFB1E0;
	s0 =	simm.s32 $0x4ED0  }
0x87: {  	v2 =	vld [tilespmem:s0+$0xFFFFFFB0];
	_ =	sdelay $0x4  }
0x88: {  	v2 =	vmul.f32 $6.400000000e+01, v2  }
0x89: {  	s28 =	simm.s32 $0xEBD0  }
0x8a: {  	[tilespmem:s28+$0xFFFFFFB0] =	vst v2  }
0x8b: {  	v2 =	vld [tilespmem:s0+$0xFFFFFFC0];
	_ =	sdelay $0x4  }
0x8c: {  	v2 =	vmul.f32 $6.400000000e+01, v2;
	_ =	sdelay $0x1  }
0x8d: {  	[tilespmem:s28+$0xFFFFFFC0] =	vst v2  }
0x8e: {  	v2 =	vld [tilespmem:s0+$0xFFFFFFD0];
	_ =	sdelay $0x4  }
0x8f: {  	v2 =	vmul.f32 $6.400000000e+01, v2;
	_ =	sdelay $0x1  }
0x90: {  	[tilespmem:s28+$0xFFFFFFD0] =	vst v2  }
0x91: {  	v2 =	vld [tilespmem:s0+$0xFFFFFFE0];
	_ =	sdelay $0x4  }
0x92: {  	v2 =	vmul.f32 $6.400000000e+01, v2;
	_ =	sdelay $0x1  }
0x93: {  	[tilespmem:s28+$0xFFFFFFE0] =	vst v2  }
0x94: {  	v2 =	vld [tilespmem:s0+$0xFFFFFFF0];
	_ =	sdelay $0x4  }
0x95: {  	v2 =	vmul.f32 $6.400000000e+01, v2;
	_ =	sdelay $0x1  }
0x96: {  	[tilespmem:s28+$0xFFFFFFF0] =	vst v2  }
0x97: {  	v2 =	vld [tilespmem:s0+$0x0];
	_ =	sdelay $0x4  }
0x98: {  	v2 =	vmul.f32 $6.400000000e+01, v2;
	_ =	sdelay $0x1  }
0x99: {  	[tilespmem:s28+$0x0] =	vst v2  }
0x9a: {  	v2 =	vld [tilespmem:s0+$0x10];
	_ =	sdelay $0x4  }
0x9b: {  	v2 =	vmul.f32 $6.400000000e+01, v2;
	_ =	sdelay $0x1  }
0x9c: {  	[tilespmem:s28+$0x10] =	vst v2  }
0x9d: {  	v2 =	vld [tilespmem:s0+$0x20];
	_ =	sdelay $0x4  }
0x9e: {  	v2 =	vmul.f32 $6.400000000e+01, v2  }
0x9f: {  	s31 =	simm.s32 $0x0  }
0xa0: {  	s1 =	sand.u32 $0x7FE0, s31;
	[tilespmem:s28+$0x20] =	vst v2  }
0xa1: {  	v2 =	vld [tilespmem:s1+$0x4F00];
	_ =	sdelay $0x4  }
0xa2: {  	v2 =	vmul.f32 $6.400000000e+01, v2;
	_ =	sdelay $0x1  }
0xa3: {  	[tilespmem:s1+$0xEC00] =	vst v2  }
0xa4: {  	v2 =	vld [tilespmem:s0+$0x40];
	_ =	sdelay $0x4  }
0xa5: {  	v2 =	vmul.f32 $6.400000000e+01, v2;
	_ =	sdelay $0x1  }
0xa6: {  	s29 =	simm.s32 $0x4F70;
	[tilespmem:s28+$0x40] =	vst v2  }
0xa7: {  	s26 =	sadd.s32 s26, s6;
	s30 =	simm.s32 $0xA0;
	s0 =	simm.s32 $0x140;
	v2 =	vld [tilespmem:s29+$0xFFFFFFB0]  }
.LBB2_5:
0xa8: {  	p1 =	sne.s32 s0, $0x4D80;
	_ =	sdelay $0x3  }
0xa9: {  	v2 =	vmul.f32 $6.400000000e+01, v2  }
0xaa: {  	s28 =	sadd.s32 $0xA0, s28  }
0xab: {  	[tilespmem:s28+$0xFFFFFFB0] =	vst v2  }
0xac: {  	v2 =	vld [tilespmem:s29+$0xFFFFFFC0];
	_ =	sdelay $0x4  }
0xad: {  	v2 =	vmul.f32 $6.400000000e+01, v2;
	_ =	sdelay $0x1  }
0xae: {  	[tilespmem:s28+$0xFFFFFFC0] =	vst v2  }
0xaf: {  	v2 =	vld [tilespmem:s29+$0xFFFFFFD0];
	_ =	sdelay $0x4  }
0xb0: {  	v2 =	vmul.f32 $6.400000000e+01, v2;
	_ =	sdelay $0x1  }
0xb1: {  	[tilespmem:s28+$0xFFFFFFD0] =	vst v2  }
0xb2: {  	v2 =	vld [tilespmem:s29+$0xFFFFFFE0];
	_ =	sdelay $0x4  }
0xb3: {  	v2 =	vmul.f32 $6.400000000e+01, v2;
	_ =	sdelay $0x1  }
0xb4: {  	[tilespmem:s28+$0xFFFFFFE0] =	vst v2  }
0xb5: {  	v2 =	vld [tilespmem:s29+$0xFFFFFFF0];
	_ =	sdelay $0x4  }
0xb6: {  	v2 =	vmul.f32 $6.400000000e+01, v2;
	_ =	sdelay $0x1  }
0xb7: {  	[tilespmem:s28+$0xFFFFFFF0] =	vst v2  }
0xb8: {  	v2 =	vld [tilespmem:s29+$0x0];
	_ =	sdelay $0x4  }
0xb9: {  	v2 =	vmul.f32 $6.400000000e+01, v2;
	_ =	sdelay $0x1  }
0xba: {  	[tilespmem:s28+$0x0] =	vst v2  }
0xbb: {  	v2 =	vld [tilespmem:s29+$0x10];
	_ =	sdelay $0x4  }
0xbc: {  	v2 =	vmul.f32 $6.400000000e+01, v2;
	_ =	sdelay $0x1  }
0xbd: {  	[tilespmem:s28+$0x10] =	vst v2  }
0xbe: {  	v2 =	vld [tilespmem:s29+$0x20];
	_ =	sdelay $0x4  }
0xbf: {  	v2 =	vmul.f32 $6.400000000e+01, v2;
	_ =	sdelay $0x1  }
0xc0: {  	s1 =	sand.u32 $0x7FE0, s30;
	s30 =	smov.u32 s0;
	[tilespmem:s28+$0x20] =	vst v2  }
0xc1: {  	v2 =	vld [tilespmem:s1+$0x4F00];
	_ =	sdelay $0x4  }
0xc2: {  	v2 =	vmul.f32 $6.400000000e+01, v2;
	_ =	sdelay $0x1  }
0xc3: {  	[tilespmem:s1+$0xEC00] =	vst v2  }
0xc4: {  	v2 =	vld [tilespmem:s29+$0x40];
	_ =	sdelay $0x3  }
.Ltmp1:
0xc5: {  	(pc) =	sbr.rel @p1 .LBB2_5-.Ltmp1, $3  }
0xc6: {  	v2 =	vmul.f32 $6.400000000e+01, v2;
	_ =	sdelay $0x1  }
0xc7: {  	s29 =	sadd.s32 $0xA0, s29;
	[tilespmem:s28+$0x40] =	vst v2  }
0xc8: {  	s0 =	sadd.s32 $0xA0, s0;
	v2 =	vld [tilespmem:s29+$0xFFFFFFB0]  }
0xc9: {  	_ =	sdelay $0x3  }
0xca: {  	v2 =	vmul.f32 $6.400000000e+01, v2  }
0xcb: {  	s0 =	sadd.s32 $0xA0, s28  }
0xcc: {  	[tilespmem:s0+$0xFFFFFFB0] =	vst v2  }
0xcd: {  	v2 =	vld [tilespmem:s29+$0xFFFFFFC0];
	_ =	sdelay $0x4  }
0xce: {  	v2 =	vmul.f32 $6.400000000e+01, v2;
	_ =	sdelay $0x1  }
0xcf: {  	[tilespmem:s0+$0xFFFFFFC0] =	vst v2  }
0xd0: {  	v2 =	vld [tilespmem:s29+$0xFFFFFFD0];
	_ =	sdelay $0x4  }
0xd1: {  	v2 =	vmul.f32 $6.400000000e+01, v2;
	_ =	sdelay $0x1  }
0xd2: {  	[tilespmem:s0+$0xFFFFFFD0] =	vst v2  }
0xd3: {  	v2 =	vld [tilespmem:s29+$0xFFFFFFE0];
	_ =	sdelay $0x4  }
0xd4: {  	v2 =	vmul.f32 $6.400000000e+01, v2;
	_ =	sdelay $0x1  }
0xd5: {  	[tilespmem:s0+$0xFFFFFFE0] =	vst v2  }
0xd6: {  	v2 =	vld [tilespmem:s29+$0xFFFFFFF0];
	_ =	sdelay $0x4  }
0xd7: {  	v2 =	vmul.f32 $6.400000000e+01, v2;
	_ =	sdelay $0x1  }
0xd8: {  	[tilespmem:s0+$0xFFFFFFF0] =	vst v2  }
0xd9: {  	v2 =	vld [tilespmem:s29+$0x0];
	_ =	sdelay $0x4  }
0xda: {  	v2 =	vmul.f32 $6.400000000e+01, v2;
	_ =	sdelay $0x1  }
0xdb: {  	[tilespmem:s0+$0x0] =	vst v2  }
0xdc: {  	v2 =	vld [tilespmem:s29+$0x10];
	_ =	sdelay $0x4  }
0xdd: {  	v2 =	vmul.f32 $6.400000000e+01, v2;
	_ =	sdelay $0x1  }
0xde: {  	[tilespmem:s0+$0x10] =	vst v2  }
0xdf: {  	v2 =	vld [tilespmem:s29+$0x20];
	_ =	sdelay $0x4  }
0xe0: {  	v2 =	vmul.f32 $6.400000000e+01, v2;
	_ =	sdelay $0x1  }
0xe1: {  	s1 =	sand.u32 $0x7FE0, s30;
	[tilespmem:s0+$0x20] =	vst v2  }
0xe2: {  	v2 =	vld [tilespmem:s1+$0x4F00];
	_ =	sdelay $0x4  }
0xe3: {  	v2 =	vmul.f32 $6.400000000e+01, v2;
	_ =	sdelay $0x1  }
0xe4: {  	[tilespmem:s1+$0xEC00] =	vst v2  }
0xe5: {  	v2 =	vld [tilespmem:s29+$0x40];
	_ =	sdelay $0x4  }
0xe6: {  	s1 =	sshrl.u32 @!p0 s26, $0x3;
	v2 =	vmul.f32 $6.400000000e+01, v2  }
0xe7: {  	s28 =	simm.s32 @!p0 $0x4E80;
	s1 =	sadd.s32 @!p0 s2, s1  }
0xe8: {  	s25 =	sadd.s32 $0x1, s25;
	[tilespmem:s0+$0x40] =	vst v2;
	s0 =	sadd.s32 @!p0 $0x1388, s1;
	s1 =	simm.s32 @!p0 $0x0  }
0xe9: {  	[tilespmem:s28], [sflag:$0x2] =	stream.linear.gather @!p0 [hbm4b:s0+s1], $0x4E20, $0x38;
	[tilespmem:$0x13B80] =	vst v63  }
0xea: {  	p0 =	sne.s32 s25, $0x50  }
.Ltmp2:
0xeb: {  	_ = 	snop;
	(pc) =	sbr.rel @p0 .LBB2_2-.Ltmp2, $4  }
0xec: {  	_ = 	snop  }
0xed: {  	s31 =	sshrl.u32 s26, $0x3  }
0xee: {  	s0 =	sadd.s32 s5, s31  }
0xef: {  	[hbm4b:s0+s3] =	stream.linear.scatter [tilespmem:s15], [sflag:$0x4], $0x4E20, $0x38;
	[tilespmem:$0x13B80] =	vst v63  }
0xf0: {  	_ =	swait.ge [sflag:s16], $0x4E20  }
0xf1: {  	[sflag:s16] =	ssyncset.done $0x0  }
0xf2: {  	[sflag:s16] =	ssyncadd.s32 $0xFFFFB1E0  }
0xf3: {  	_ =	swait.ge [sflag:s17], $0x4E20  }
0xf4: {  	[sflag:s17] =	ssyncset.done $0x0  }
0xf5: {  	[sflag:s17] =	ssyncadd.s32 $0xFFFFB1E0  }
0xf6: {  	[tilespmem:s18], [sflag:$0x6] =	stream.linear.gather [hbm4b:s9+s3], $0x20, $0x38;
	[tilespmem:$0x13B80] =	vst v63  }
0xf7: {  	_ =	swait.ge [sflag:s19], $0x20  }
0xf8: {  	[sflag:s19] =	ssyncset.done $0x0  }
0xf9: {  	[sflag:s19] =	ssyncadd.s32 $0xFFFFFFE0  }
0xfa: {  	v2 =	vld [tilespmem:$0x13A00]  }
0xfb: {  	v3 =	vld [tilespmem:$0x13A10];
	_ =	sdelay $0x3  }
0xfc: {  	v2 =	vadd.s32 v2, v0  }
0xfd: {  	[tilespmem:$0x13A80] =	vst v2;
	v2 =	vadd.s32 v3, v1  }
0xfe: {  	[tilespmem:$0x13A90] =	vst v2  }
0xff: {  	[tilespmem:s22], [sflag:$0x5] =	stream.indirect.gather [hbm4b:s2+s20], $0x1, s21, s20, $0xb8;
	[tilespmem:$0x13B80] =	vst v63  }
0x100: {  	_ =	swait.ge [sflag:s23], $0x20  }
0x101: {  	[sflag:s23] =	ssyncset.done $0x0  }
0x102: {  	[sflag:s23] =	ssyncadd.s32 $0xFFFFFFE0  }
0x103: {  	v2 =	vld [tilespmem:$0x13B00];
	_ =	sdelay $0x4  }
0x104: {  	v3 =	vmul.f32 v2, v2;
	_ =	sdelay $0x1  }
0x105: {  	v3 =	vsub.f32 $1.000000000e+00, v3;
	_ =	sdelay $0x1  }
0x106: {  	v3 =	vmax.f32 v3, $1.000000000e-30  }
0x107: {  	v4 =	vadd.f32 $1.000000000e+00, v3;
	_ =	sdelay $0x1  }
0x108: {  	v4 =	vmul.f32 $5.000000000e-01, v4;
	_ =	sdelay $0x1  }
0x109: {  	(erf) = vrcp.f32 v4;
	_ =	sdelay $0x8  }
0x10a: {  	v5 =	vpop (erf)  }
0x10b: {  	v5 =	vmul.f32 v5, v3;
	_ =	sdelay $0x1  }
0x10c: {  	v4 =	vadd.f32 v5, v4;
	_ =	sdelay $0x1  }
0x10d: {  	v4 =	vmul.f32 $5.000000000e-01, v4;
	_ =	sdelay $0x1  }
0x10e: {  	(erf) = vrcp.f32 v4;
	_ =	sdelay $0x8  }
0x10f: {  	v21 =	vpop (erf)  }
0x110: {  	v5 =	vmul.f32 v21, v3;
	_ =	sdelay $0x1  }
0x111: {  	v4 =	vadd.f32 v5, v4;
	_ =	sdelay $0x1  }
0x112: {  	v4 =	vmul.f32 $5.000000000e-01, v4;
	_ =	sdelay $0x1  }
0x113: {  	(erf) = vrcp.f32 v4;
	_ =	sdelay $0x8  }
0x114: {  	v22 =	vpop (erf)  }
0x115: {  	v5 =	vmul.f32 v22, v3;
	_ =	sdelay $0x1  }
0x116: {  	v4 =	vadd.f32 v5, v4;
	_ =	sdelay $0x1  }
0x117: {  	v4 =	vmul.f32 $5.000000000e-01, v4;
	_ =	sdelay $0x1  }
0x118: {  	(erf) = vrcp.f32 v4;
	_ =	sdelay $0x8  }
0x119: {  	v23 =	vpop (erf)  }
0x11a: {  	v5 =	vmul.f32 v23, v3;
	_ =	sdelay $0x1  }
0x11b: {  	v4 =	vadd.f32 v5, v4;
	_ =	sdelay $0x1  }
0x11c: {  	v4 =	vmul.f32 $5.000000000e-01, v4;
	_ =	sdelay $0x1  }
0x11d: {  	(erf) = vrcp.f32 v4;
	_ =	sdelay $0x8  }
0x11e: {  	v24 =	vpop (erf)  }
0x11f: {  	v5 =	vmul.f32 v24, v3;
	_ =	sdelay $0x1  }
0x120: {  	v4 =	vadd.f32 v5, v4;
	_ =	sdelay $0x1  }
0x121: {  	v4 =	vmul.f32 $5.000000000e-01, v4;
	_ =	sdelay $0x1  }
0x122: {  	(erf) = vrcp.f32 v4;
	_ =	sdelay $0x8  }
0x123: {  	v25 =	vpop (erf)  }
0x124: {  	v5 =	vmul.f32 v25, v3;
	_ =	sdelay $0x1  }
0x125: {  	v4 =	vadd.f32 v5, v4;
	_ =	sdelay $0x1  }
0x126: {  	v4 =	vmul.f32 $5.000000000e-01, v4;
	_ =	sdelay $0x1  }
0x127: {  	(erf) = vrcp.f32 v4;
	_ =	sdelay $0x8  }
0x128: {  	v26 =	vpop (erf)  }
0x129: {  	v5 =	vmul.f32 v26, v3;
	_ =	sdelay $0x1  }
0x12a: {  	v4 =	vadd.f32 v5, v4;
	_ =	sdelay $0x1  }
0x12b: {  	v4 =	vmul.f32 $5.000000000e-01, v4;
	_ =	sdelay $0x1  }
0x12c: {  	(erf) = vrcp.f32 v4;
	_ =	sdelay $0x8  }
0x12d: {  	v27 =	vpop (erf)  }
0x12e: {  	v5 =	vmul.f32 v27, v3;
	_ =	sdelay $0x1  }
0x12f: {  	v4 =	vadd.f32 v5, v4;
	_ =	sdelay $0x1  }
0x130: {  	v4 =	vmul.f32 $5.000000000e-01, v4;
	_ =	sdelay $0x1  }
0x131: {  	(erf) = vrcp.f32 v4;
	_ =	sdelay $0x8  }
0x132: {  	v28 =	vpop (erf)  }
0x133: {  	v5 =	vmul.f32 v28, v3;
	_ =	sdelay $0x1  }
0x134: {  	v4 =	vadd.f32 v5, v4;
	_ =	sdelay $0x1  }
0x135: {  	v4 =	vmul.f32 $5.000000000e-01, v4;
	_ =	sdelay $0x1  }
0x136: {  	(erf) = vrcp.f32 v4;
	_ =	sdelay $0x8  }
0x137: {  	v29 =	vpop (erf)  }
0x138: {  	v5 =	vmul.f32 v29, v3;
	_ =	sdelay $0x1  }
0x139: {  	v4 =	vadd.f32 v5, v4;
	_ =	sdelay $0x1  }
0x13a: {  	v4 =	vmul.f32 $5.000000000e-01, v4;
	_ =	sdelay $0x1  }
0x13b: {  	(erf) = vrcp.f32 v4;
	_ =	sdelay $0x8  }
0x13c: {  	v30 =	vpop (erf)  }
0x13d: {  	v5 =	vmul.f32 v30, v3;
	_ =	sdelay $0x1  }
0x13e: {  	v4 =	vadd.f32 v5, v4;
	_ =	sdelay $0x1  }
0x13f: {  	v4 =	vmul.f32 $5.000000000e-01, v4;
	_ =	sdelay $0x1  }
0x140: {  	(erf) = vrcp.f32 v4;
	_ =	sdelay $0x8  }
0x141: {  	v31 =	vpop (erf)  }
0x142: {  	v5 =	vmul.f32 v31, v3;
	_ =	sdelay $0x1  }
0x143: {  	v4 =	vadd.f32 v5, v4;
	_ =	sdelay $0x1  }
0x144: {  	v4 =	vmul.f32 $5.000000000e-01, v4;
	_ =	sdelay $0x1  }
0x145: {  	(erf) = vrcp.f32 v4;
	_ =	sdelay $0x8  }
0x146: {  	v32 =	vpop (erf)  }
0x147: {  	v5 =	vmul.f32 v32, v3;
	_ =	sdelay $0x1  }
0x148: {  	v4 =	vadd.f32 v5, v4;
	_ =	sdelay $0x1  }
0x149: {  	v4 =	vmul.f32 $5.000000000e-01, v4;
	_ =	sdelay $0x1  }
0x14a: {  	(erf) = vrcp.f32 v4;
	_ =	sdelay $0x8  }
0x14b: {  	v33 =	vpop (erf)  }
0x14c: {  	v5 =	vmul.f32 v33, v3;
	_ =	sdelay $0x1  }
0x14d: {  	v4 =	vadd.f32 v5, v4;
	_ =	sdelay $0x1  }
0x14e: {  	v4 =	vmul.f32 $5.000000000e-01, v4;
	_ =	sdelay $0x1  }
0x14f: {  	(erf) = vrcp.f32 v4;
	_ =	sdelay $0x8  }
0x150: {  	v34 =	vpop (erf)  }
0x151: {  	v5 =	vmul.f32 v34, v3;
	_ =	sdelay $0x1  }
0x152: {  	v4 =	vadd.f32 v5, v4;
	_ =	sdelay $0x1  }
0x153: {  	v4 =	vmul.f32 $5.000000000e-01, v4;
	_ =	sdelay $0x1  }
0x154: {  	(erf) = vrcp.f32 v4;
	_ =	sdelay $0x8  }
0x155: {  	v35 =	vpop (erf)  }
0x156: {  	v5 =	vmul.f32 v35, v3;
	_ =	sdelay $0x1  }
0x157: {  	v4 =	vadd.f32 v5, v4;
	_ =	sdelay $0x1  }
0x158: {  	v4 =	vmul.f32 $5.000000000e-01, v4;
	_ =	sdelay $0x1  }
0x159: {  	(erf) = vrcp.f32 v4;
	_ =	sdelay $0x8  }
0x15a: {  	v36 =	vpop (erf)  }
0x15b: {  	v5 =	vmul.f32 v36, v3;
	_ =	sdelay $0x1  }
0x15c: {  	v4 =	vadd.f32 v5, v4;
	_ =	sdelay $0x1  }
0x15d: {  	v4 =	vmul.f32 $5.000000000e-01, v4;
	_ =	sdelay $0x1  }
0x15e: {  	(erf) = vrcp.f32 v4;
	_ =	sdelay $0x8  }
0x15f: {  	v37 =	vpop (erf)  }
0x160: {  	v5 =	vmul.f32 v37, v3;
	_ =	sdelay $0x1  }
0x161: {  	v4 =	vadd.f32 v5, v4;
	_ =	sdelay $0x1  }
0x162: {  	v4 =	vmul.f32 $5.000000000e-01, v4;
	_ =	sdelay $0x1  }
0x163: {  	(erf) = vrcp.f32 v4;
	_ =	sdelay $0x8  }
0x164: {  	v38 =	vpop (erf)  }
0x165: {  	v5 =	vmul.f32 v38, v3;
	_ =	sdelay $0x1  }
0x166: {  	v4 =	vadd.f32 v5, v4;
	_ =	sdelay $0x1  }
0x167: {  	v4 =	vmul.f32 $5.000000000e-01, v4;
	_ =	sdelay $0x1  }
0x168: {  	(erf) = vrcp.f32 v4;
	_ =	sdelay $0x8  }
0x169: {  	v39 =	vpop (erf)  }
0x16a: {  	v5 =	vmul.f32 v39, v3;
	_ =	sdelay $0x1  }
0x16b: {  	v4 =	vadd.f32 v5, v4;
	_ =	sdelay $0x1  }
0x16c: {  	v4 =	vmul.f32 $5.000000000e-01, v4;
	_ =	sdelay $0x1  }
0x16d: {  	(erf) = vrcp.f32 v4;
	_ =	sdelay $0x2  }
0x16e: {  	v40 =	vld [tilespmem:$0x13B10];
	_ =	sdelay $0x4  }
0x16f: {  	v6 =	vmul.f32 v40, v40  }
0x170: {  	v7 =	vpop (erf)  }
0x171: {  	v6 =	vsub.f32 $1.000000000e+00, v6;
	v7 =	vmul.f32 v7, v3;
	_ =	sdelay $0x1  }
0x172: {  	v6 =	vmax.f32 v6, $1.000000000e-30;
	v4 =	vadd.f32 v7, v4  }
0x173: {  	v41 =	vadd.f32 $1.000000000e+00, v6  }
0x174: {  	v4 =	vmul.f32 $5.000000000e-01, v4  }
0x175: {  	v7 =	vmul.f32 $5.000000000e-01, v41  }
0x176: {  	(erf) = vrcp.f32 v4  }
0x177: {  	(erf) = vrcp.f32 v7;
	_ =	sdelay $0x7  }
0x178: {  	v8 =	vpop (erf)  }
0x179: {  	v9 =	vpop (erf)  }
0x17a: {  	v9 =	vmul.f32 v9, v6;
	_ =	sdelay $0x1  }
0x17b: {  	v7 =	vadd.f32 v9, v7;
	_ =	sdelay $0x1  }
0x17c: {  	v7 =	vmul.f32 $5.000000000e-01, v7;
	_ =	sdelay $0x1  }
0x17d: {  	(erf) = vrcp.f32 v7;
	_ =	sdelay $0x8  }
0x17e: {  	v42 =	vpop (erf)  }
0x17f: {  	v9 =	vmul.f32 v42, v6;
	_ =	sdelay $0x1  }
0x180: {  	v7 =	vadd.f32 v9, v7;
	_ =	sdelay $0x1  }
0x181: {  	v7 =	vmul.f32 $5.000000000e-01, v7;
	_ =	sdelay $0x1  }
0x182: {  	(erf) = vrcp.f32 v7;
	_ =	sdelay $0x8  }
0x183: {  	v43 =	vpop (erf)  }
0x184: {  	v9 =	vmul.f32 v43, v6;
	_ =	sdelay $0x1  }
0x185: {  	v7 =	vadd.f32 v9, v7;
	_ =	sdelay $0x1  }
0x186: {  	v7 =	vmul.f32 $5.000000000e-01, v7;
	_ =	sdelay $0x1  }
0x187: {  	(erf) = vrcp.f32 v7;
	_ =	sdelay $0x8  }
0x188: {  	v44 =	vpop (erf)  }
0x189: {  	v9 =	vmul.f32 v44, v6;
	_ =	sdelay $0x1  }
0x18a: {  	v7 =	vadd.f32 v9, v7;
	_ =	sdelay $0x1  }
0x18b: {  	v7 =	vmul.f32 $5.000000000e-01, v7;
	_ =	sdelay $0x1  }
0x18c: {  	(erf) = vrcp.f32 v7;
	_ =	sdelay $0x8  }
0x18d: {  	v45 =	vpop (erf)  }
0x18e: {  	v9 =	vmul.f32 v45, v6;
	_ =	sdelay $0x1  }
0x18f: {  	v7 =	vadd.f32 v9, v7;
	_ =	sdelay $0x1  }
0x190: {  	v7 =	vmul.f32 $5.000000000e-01, v7;
	_ =	sdelay $0x1  }
0x191: {  	(erf) = vrcp.f32 v7;
	_ =	sdelay $0x8  }
0x192: {  	v46 =	vpop (erf)  }
0x193: {  	v9 =	vmul.f32 v46, v6;
	_ =	sdelay $0x1  }
0x194: {  	v7 =	vadd.f32 v9, v7;
	_ =	sdelay $0x1  }
0x195: {  	v7 =	vmul.f32 $5.000000000e-01, v7;
	_ =	sdelay $0x1  }
0x196: {  	(erf) = vrcp.f32 v7;
	_ =	sdelay $0x8  }
0x197: {  	v47 =	vpop (erf)  }
0x198: {  	v9 =	vmul.f32 v47, v6;
	_ =	sdelay $0x1  }
0x199: {  	v7 =	vadd.f32 v9, v7;
	_ =	sdelay $0x1  }
0x19a: {  	v7 =	vmul.f32 $5.000000000e-01, v7;
	_ =	sdelay $0x1  }
0x19b: {  	(erf) = vrcp.f32 v7;
	_ =	sdelay $0x8  }
0x19c: {  	v48 =	vpop (erf)  }
0x19d: {  	v9 =	vmul.f32 v48, v6;
	_ =	sdelay $0x1  }
0x19e: {  	v7 =	vadd.f32 v9, v7;
	_ =	sdelay $0x1  }
0x19f: {  	v7 =	vmul.f32 $5.000000000e-01, v7;
	_ =	sdelay $0x1  }
0x1a0: {  	(erf) = vrcp.f32 v7;
	_ =	sdelay $0x8  }
0x1a1: {  	v49 =	vpop (erf)  }
0x1a2: {  	v9 =	vmul.f32 v49, v6;
	_ =	sdelay $0x1  }
0x1a3: {  	v7 =	vadd.f32 v9, v7;
	_ =	sdelay $0x1  }
0x1a4: {  	v7 =	vmul.f32 $5.000000000e-01, v7;
	_ =	sdelay $0x1  }
0x1a5: {  	(erf) = vrcp.f32 v7;
	_ =	sdelay $0x8  }
0x1a6: {  	v50 =	vpop (erf)  }
0x1a7: {  	v9 =	vmul.f32 v50, v6;
	_ =	sdelay $0x1  }
0x1a8: {  	v7 =	vadd.f32 v9, v7;
	_ =	sdelay $0x1  }
0x1a9: {  	v7 =	vmul.f32 $5.000000000e-01, v7;
	_ =	sdelay $0x1  }
0x1aa: {  	(erf) = vrcp.f32 v7;
	_ =	sdelay $0x8  }
0x1ab: {  	v51 =	vpop (erf)  }
0x1ac: {  	v9 =	vmul.f32 v51, v6;
	_ =	sdelay $0x1  }
0x1ad: {  	v7 =	vadd.f32 v9, v7;
	_ =	sdelay $0x1  }
0x1ae: {  	v7 =	vmul.f32 $5.000000000e-01, v7;
	_ =	sdelay $0x1  }
0x1af: {  	(erf) = vrcp.f32 v7;
	_ =	sdelay $0x8  }
0x1b0: {  	v52 =	vpop (erf)  }
0x1b1: {  	v9 =	vmul.f32 v52, v6;
	_ =	sdelay $0x1  }
0x1b2: {  	v7 =	vadd.f32 v9, v7;
	_ =	sdelay $0x1  }
0x1b3: {  	v7 =	vmul.f32 $5.000000000e-01, v7;
	_ =	sdelay $0x1  }
0x1b4: {  	(erf) = vrcp.f32 v7;
	_ =	sdelay $0x8  }
0x1b5: {  	v53 =	vpop (erf)  }
0x1b6: {  	v9 =	vmul.f32 v53, v6;
	_ =	sdelay $0x1  }
0x1b7: {  	v7 =	vadd.f32 v9, v7;
	_ =	sdelay $0x1  }
0x1b8: {  	v7 =	vmul.f32 $5.000000000e-01, v7;
	_ =	sdelay $0x1  }
0x1b9: {  	(erf) = vrcp.f32 v7;
	_ =	sdelay $0x8  }
0x1ba: {  	v54 =	vpop (erf)  }
0x1bb: {  	v9 =	vmul.f32 v54, v6;
	_ =	sdelay $0x1  }
0x1bc: {  	v7 =	vadd.f32 v9, v7;
	_ =	sdelay $0x1  }
0x1bd: {  	v7 =	vmul.f32 $5.000000000e-01, v7;
	_ =	sdelay $0x1  }
0x1be: {  	(erf) = vrcp.f32 v7;
	_ =	sdelay $0x8  }
0x1bf: {  	v55 =	vpop (erf)  }
0x1c0: {  	v9 =	vmul.f32 v55, v6;
	_ =	sdelay $0x1  }
0x1c1: {  	v7 =	vadd.f32 v9, v7;
	_ =	sdelay $0x1  }
0x1c2: {  	v7 =	vmul.f32 $5.000000000e-01, v7;
	_ =	sdelay $0x1  }
0x1c3: {  	(erf) = vrcp.f32 v7;
	_ =	sdelay $0x8  }
0x1c4: {  	v56 =	vpop (erf)  }
0x1c5: {  	v9 =	vmul.f32 v56, v6;
	_ =	sdelay $0x1  }
0x1c6: {  	v7 =	vadd.f32 v9, v7;
	_ =	sdelay $0x1  }
0x1c7: {  	v7 =	vmul.f32 $5.000000000e-01, v7;
	_ =	sdelay $0x1  }
0x1c8: {  	(erf) = vrcp.f32 v7;
	_ =	sdelay $0x8  }
0x1c9: {  	v57 =	vpop (erf)  }
0x1ca: {  	v9 =	vmul.f32 v57, v6;
	_ =	sdelay $0x1  }
0x1cb: {  	v7 =	vadd.f32 v9, v7;
	_ =	sdelay $0x1  }
0x1cc: {  	v7 =	vmul.f32 $5.000000000e-01, v7;
	_ =	sdelay $0x1  }
0x1cd: {  	(erf) = vrcp.f32 v7;
	_ =	sdelay $0x8  }
0x1ce: {  	v58 =	vpop (erf)  }
0x1cf: {  	v9 =	vmul.f32 v58, v6;
	_ =	sdelay $0x1  }
0x1d0: {  	v7 =	vadd.f32 v9, v7;
	_ =	sdelay $0x1  }
0x1d1: {  	v7 =	vmul.f32 $5.000000000e-01, v7;
	_ =	sdelay $0x1  }
0x1d2: {  	(erf) = vrcp.f32 v7;
	_ =	sdelay $0x8  }
0x1d3: {  	v59 =	vpop (erf)  }
0x1d4: {  	v9 =	vmul.f32 v59, v6;
	_ =	sdelay $0x1  }
0x1d5: {  	v7 =	vadd.f32 v9, v7;
	_ =	sdelay $0x1  }
0x1d6: {  	v7 =	vmul.f32 $5.000000000e-01, v7;
	_ =	sdelay $0x1  }
0x1d7: {  	(erf) = vrcp.f32 v7;
	_ =	sdelay $0x8  }
0x1d8: {  	v60 =	vpop (erf)  }
0x1d9: {  	v9 =	vmul.f32 v60, v6;
	_ =	sdelay $0x1  }
0x1da: {  	v7 =	vadd.f32 v9, v7;
	_ =	sdelay $0x1  }
0x1db: {  	v7 =	vmul.f32 $5.000000000e-01, v7;
	_ =	sdelay $0x1  }
0x1dc: {  	(erf) = vrcp.f32 v7;
	_ =	sdelay $0x8  }
0x1dd: {  	v61 =	vpop (erf)  }
0x1de: {  	v9 =	vmul.f32 v61, v6;
	_ =	sdelay $0x1  }
0x1df: {  	v7 =	vadd.f32 v9, v7;
	_ =	sdelay $0x1  }
0x1e0: {  	v7 =	vmul.f32 $5.000000000e-01, v7;
	_ =	sdelay $0x1  }
0x1e1: {  	(erf) = vrcp.f32 v7;
	_ =	sdelay $0x8  }
0x1e2: {  	v3 =	vmul.f32 v8, v3;
	v62 =	vpop (erf)  }
0x1e3: {  	v6 =	vmul.f32 v62, v6  }
0x1e4: {  	v3 =	vadd.f32 v3, v4  }
0x1e5: {  	v63 =	vadd.f32 v6, v7  }
0x1e6: {  	v3 =	vmul.f32 $5.000000000e-01, v3  }
0x1e7: {  	v4 =	vmul.f32 $5.000000000e-01, v63  }
0x1e8: {  	v2 =	vmul.f32 $8.775825500e-01, v2;
	v3 =	vmul.f32 $4.794255500e-01, v3  }
0x1e9: {  	v5 =	vmul.f32 $8.775825500e-01, v40;
	v4 =	vmul.f32 $4.794255500e-01, v4  }
0x1ea: {  	v2 =	vsub.f32 v2, v3  }
0x1eb: {  	v3 =	vsub.f32 v5, v4  }
0x1ec: {  	v2 =	vmul.f32 $6.400000000e+01, v2  }
0x1ed: {  	s24 =	sadd.s32 $0x1, s24;
	v3 =	vmul.f32 $6.400000000e+01, v3  }
0x1ee: {  	p0 =	sne.s32 s24, s10;
	[tilespmem:$0x13B00] =	vst v2  }
.Ltmp3:
0x1ef: {  	[tilespmem:$0x13B10] =	vst v3;
	(pc) =	sbr.rel @p0 .LBB2_1-.Ltmp3, $4  }
0x1f0: {  	[hbm4b:s5+s20] =	stream.indirect.scatter [tilespmem:s22], [sflag:$0x5], $0x1, s21, s20, $0xb8;
	[tilespmem:$0x13B80] =	vst v63  }
0x1f1: {  	_ =	swait.ge [sflag:s23], $0x20  }
0x1f2: {  	[sflag:s23] =	ssyncset.done $0x0  }
0x1f3: {  	[sflag:s23] =	ssyncadd.s32 $0xFFFFFFE0  }
0x1f4: {  	_ =	sfence.sel $0x180000  }
0x1f5: {  	[bflag:$0x0] =	sbarrier.arrive $0xFFFF  }
0x1f6: {  	_ =	strace $0x90000047  }
0x1f7: {  	s0 =	stileid.u32;
	[bflag:$0x2] =	sbarrier.arrive $0xFFFF  }
0x1f8: {  	p0 =	sne.s32 s0, $0x0;
	s0 =	rddreg [dreg:$0x3]  }
0x1f9: {  	s0 =	sadd.s32 @!p0 $0x100000, s0  }
0x1fa: {  	[sflag:s0] =	ssyncadd.tile.s32 @!p0 $0x1;
	_ =	shalt  }
.Lfunc_end2:
_tile_overlayer_lowered:
.L_overlay_start_2:
0x1fb: {  	(tag) =	ssettag $0x2  }
0x1fc: {  	s0 =	rddreg [dreg:$0x0];
	s2 =	stileid.u32  }
0x1fd: {  	s1 =	rddreg [dreg:$0x1];
	p0 =	sne.s32 s2, $0x0  }
0x1fe: {  	s3 =	rddreg [dreg:$0x2];
	[bflag:$0x3] =	sbarrier.arrive $0xFFFF;
	s2 =	simm.s32 @!p0 $0x1C06  }
0x1ff: {  	[timem:s3], [sflag:s2] =	dma.local @!p0 [hbm:s0], s1  }
0x200: {  	s0 =	simm.s32 @!p0 $0x6  }
0x201: {  	_ =	swait.ge @!p0 [sflag:s0], s1  }
0x202: {  	s1 =	ssub.s32 @!p0 $0x0, s1;
	[sflag:s0] =	ssyncset.done @!p0 $0x0  }
0x203: {  	[sflag:s0] =	ssyncadd.s32 @!p0 s1  }
0x204: {  	[bflag:$0x3] =	sbarrier.arrive $0xFFFF  }
0x205: {  	_ =	shalt  }

// kernel: sparse-core-data-format-call.cloned.1.call-start
scs
called_computation_lowered:
.L_overlay_start_0:
0x0: {  	s2 =	sld [smem:$0x3FD9]  }
0x1: {  	s3 =	sld [smem:$0x3FFE];
	_ =	sdelay $0x1  }
0x2: {  	s1 =	srdreg.scid  }
0x3: {  	s0 =	sand.u32 $0x1, s1  }
0x4: {  	s18 =	sshll.u32 s0, $0xA;
	s2 =	sadd.s32 s3, s2  }
0x5: {  	s2 =	sadd.s32 s2, s18  }
0x6: {  	[smem:$0x3FC6] =	sst s2  }
0x7: {  	_ = 	snop  }
0x8: {  	s2 =	sld [smem:$0x3FD0];
	(tm) =	ssettm $0x1  }
0x9: {  	s19 =	sld [smem:$0x3FFB];
	_ =	sdelay $0x3  }
0xa: {  	_ =	strace s19  }
0xb: {  	s3 =	sld [smem:$0x3FFC];
	_ =	sdelay $0x3  }
0xc: {  	_ =	strace s3  }
0xd: {  	s3 =	sld [smem:$0x3FFD];
	_ =	sdelay $0x3  }
0xe: {  	_ =	strace s3  }
0xf: {  	_ =	strace $0x8FFFFFFF  }
0x10: {  	s20 =	sld [smem:$0x3FDB];
	_ =	sdelay $0x1  }
0x11: {  	s4 =	simm.s32 $_scs_section_size  }
0x12: {  	s5 =	simm.s32 $_size__tile_overlayer_lowered;
	s6 =	simm.s32 $_tile_overlayer_lowered  }
0x13: {  	s23 =	simm.s32 $0x1BFF;
	s22 =	sshll.u32 s6, $0x1;
	s3 =	sadd.s32 s4, s20  }
0x14: {  	s7 =	simm.s32 $0x0;
	s21 =	sshll.u32 s5, $0x1;
	s5 =	sadd.s32 s22, s3  }
0x15: {  	[timem:s7], [sflag:s23] =	dma.local [hbm:s5], s21  }
0x16: {  	_ =	swait.ge [sflag:s23], s21  }
0x17: {  	s4 =	ssub.s32 $0x0, s21;
	[sflag:s23] =	ssyncset.done $0x0  }
0x18: {  	[sflag:s23] =	ssyncadd.s32 s4;
	_ =	sdelay $0x1  }
0x19: {  	s24 =	simm.s32 $0x1B8B  }
0x1a: {  	_ =	swait.ge [sflag:s24], $0x1  }
0x1b: {  	[sflag:s24] =	ssyncset.done $0x0  }
0x1c: {  	s26 =	simm.s32 $0x1B8E;
	s25 =	sld [smem:$0x3FFE];
	[sflag:s24] =	ssyncadd.s32 $0xFFFFFFFF  }
0x1d: {  	s27 =	simm.s32 $execute0_lowered;
	[smem:$0x3FD2] =	sst s26  }
0x1e: {  	s5 =	sshll.u32 s27, $0x1;
	_ =	strace $0x80000049;
	[dreg:$0x1] =	wrdreg $0xFFFFFFFF  }
0x1f: {  	s28 =	simm.s32 $_size_execute0_lowered;
	s3 =	sadd.s32 s3, s5;
	[dreg:$0x0] =	wrdreg $0x0  }
0x20: {  	s5 =	sshll.u32 s28, $0x1;
	[dreg:$0x2] =	wrdreg s3  }
0x21: {  	[dreg:$0x3] =	wrdreg s5  }
0x22: {  	[dreg:$0x4] =	wrdreg $0xC0  }
0x23: {  	_ =	task [dreg:s7], $0x5FFFF  }
0x24: {  	[dreg:$0x1] =	wrdreg $0xFFFFFFFF  }
0x25: {  	[dreg:$0x0] =	wrdreg $0x60  }
0x26: {  	[dreg:$0x2] =	wrdreg s25  }
0x27: {  	[dreg:$0x3] =	wrdreg s2  }
0x28: {  	[dreg:$0x4] =	wrdreg $0x9  }
0x29: {  	_ =	task.clear_ibuf [dreg:s7], $0x5FFFF;
	_ =	strace $0x90000049  }
0x2a: {  	s29 =	simm.s32 $0x9;
	_ =	strace $0x8000004B  }
0x2b: {  	_ =	swait.ge [sflag:s29], $0x1  }
0x2c: {  	[sflag:s29] =	ssyncadd.s32 $0xFFFFFFFF  }
0x2d: {  	_ =	strace $0x9000004B  }
0x2e: {  	_ =	sfence  }
0x2f: {  	s30 =	sld [smem:$0x0];
	_ =	sdelay $0x2  }
0x30: {  	s31 =	sshll.u32 s1, $0xD;
	s1 =	sshrl.u32 s1, $0x2  }
0x31: {  	s3 =	sand.u32 $0x4000, s31;
	s1 =	sadd.s32 s1, s30  }
0x32: {  	s0 =	sor.u32 s3, s0;
	s1 =	sshll.u32 s1, $0x11  }
0x33: {  	s0 =	sor.u32 s1, s0  }
0x34: {  	s0 =	sadd.s32 $0x8F2B, s0  }
0x35: {  	[sflag:s0] =	ssyncadd.remote.s32 $0x1  }
0x36: {  	_ =	sfence.sel $0xFFFF  }
0x37: {  	[dreg:$0x0] =	wrdreg $0xFFFFFFFF;
	(pc) =	sbr.abs _section_cstart, $3  }
0x38: {  	[dreg:$0x1] =	wrdreg $0xFFFFFFFF  }
0x39: {  	_ =	task.clear_ibuf [dreg:s7], $0x2FFFF;
	_ =	strace $0x9FFFFFFF  }
0x3a: {  	(tm) =	ssettm $0x7FFFFFFF  }
0x3b: {  	_ =	shalt  }
tec
execute0_lowered:
.L_overlay_start_1:
0x0: {  	(tag) =	ssettag $0x1  }
0x1: {  	s0 =	stileid.u32  }
0x2: {  	s2 =	srdreg.scid;
	s7 =	rddreg [dreg:$0x0]  }
0x3: {  	s6 =	simm.s32 $0x1;
	s31 =	simm.s32 $0x2;
	s16 =	simm.s32 $0x0  }
0x4: {  	s9 =	simm.s32 $0x2000;
	s15 =	simm.s32 $0x0;
	s10 =	simm.s32 $0x0  }
0x5: {  	s11 =	simm.s32 $0x0;
	s14 =	simm.s32 $0x0;
	s1 =	sshll.u32 s0, $0x7  }
0x6: {  	s3 =	sshll.u32 s0, $0x4;
	s2 =	sshll.u32 s2, $0x8;
	s1 =	sand.u32 $0x380, s1  }
0x7: {  	s7 =	sadd.s32 $0xC35800, s7;
	s2 =	sor.u32 s3, s2;
	s5 =	ssub.s32 $0x400, s1  }
0x8: {  	s3 =	rddreg [dreg:$0x1];
	s4 =	sand.u32 $0x180, s2;
	s29 =	sand.u32 $0x380, s5  }
0x9: {  	s30 =	ssub.s32 $0x18680, s4;
	s5 =	sshrl.u32 s5, $0xA;
	p0 =	sne.s32 s29, $0x0  }
.Ltmp0:
0xa: {  	s8 =	sshrl.u32 s30, $0x9;
	s6 =	simm.s32 @!p0 $0x0;
	(pc) =	sbr.rel .LBB1_1-.Ltmp0, $4  }
0xb: {  	s2 =	rddreg [dreg:$0x2];
	s8 =	sadd.s32 $0x1, s8;
	s6 =	sadd.s32 s6, s5  }
0xc: {  	_ =	strace $0x8000004A;
	s5 =	simm.s32 $0x1;
	s6 =	smul.u32 s6, s8  }
0xd: {  	s13 =	smov.u32 s1;
	s12 =	smov.u32 s4;
	[sflag:s5] =	ssyncpa.u1 $0x0  }
0xe: {  	p0 =	por $0x0, $0x0;
	[sflag:s31] =	ssyncpa.u1 $0x0;
	s8 =	sadd.s32 $0x1, s6  }
.LBB1_4:
0xf: {  	s21 =	sshra.s32 s21, $0x2;
	s27 =	sshll.u32 s10, $0xA;
	s22 =	sshll.u32 s11, $0x3  }
0x10: {  	s23 =	sshll.u32 s10, $0x7;
	s24 =	sand.u32 $0x78, s11;
	p1 =	sgt.s32 s10, $0x18620  }
0x11: {  	s25 =	sshra.s32 s10, $0x1F;
	s26 =	sshra.s32 s11, $0x1F;
	s20 =	sadd.s32 s21, s20  }
0x12: {  	v5 =	vld [tilespmem:s18+$0xFFFFFFD0];
	[tilespmem:s19+$0x2040 ss:$0x81] =	vst.msk $0xffff, v4;
	s21 =	sand.u32 $0xFFFFE000, s27;
	s22 =	sand.u32 $0xFFFFFC00, s22;
	s28 =	sand.u32 $0x380, s23  }
0x13: {  	v58 =	vld [tilespmem:s18+$0xFFFFFFE0];
	[tilespmem:s19+$0x2850 ss:$0x81] =	vst.msk $0xffff, v3;
	s23 =	smov.u32 s10;
	s30 =	sand.u32 s25, s10;
	s25 =	smov.u32 s11  }
0x14: {  	v59 =	vld [tilespmem:s18+$0xFFFFFFF0];
	[tilespmem:s19+$0x3060 ss:$0x81] =	vst.msk $0xffff, v2;
	s31 =	sand.u32 s26, s11;
	s21 =	sadd.s32 s22, s21;
	s22 =	sor.u32 s24, s28  }
0x15: {  	v60 =	vld [tilespmem:s18+$0x0];
	[tilespmem:s19+$0x0 ss:$0x81] =	vst.msk $0xffff, v1;
	s23 =	simm.s32 @!p1 $0x18620;
	p1 =	sgt.s32 s11, $0x380;
	s21 =	sshrl.u32 s21, $0xA  }
0x16: {  	v61 =	vld [tilespmem:s18+$0x10];
	[tilespmem:s20+$0x3870 ss:$0x81] =	vst.msk $0xffff, v0;
	s19 =	ssub.s32 s23, s30;
	s25 =	simm.s32 @!p1 $0x380;
	s29 =	smulhi.u32 $0x53E2D7, s21  }
0x17: {  	v62 =	vld [tilespmem:s18+$0x20];
	s23 =	ssub.s32 s25, s31;
	s26 =	sadd.s32 $0xFFFE79E0, s19;
	s19 =	ssub.s32 $0x186A0, s19;
	[tilespmem:s20+$0x810 ss:$0x81] =	vst.msk $0xffff, v5  }
0x18: {  	v63 =	vld [tilespmem:s18+$0xFFFFFFC0];
	[tilespmem:s20+$0x1020 ss:$0x81] =	vst.msk $0xffff, v58;
	p1 =	sgt.s32 s26, $0x7F;
	s28 =	sadd.s32 $0xFFFFFC80, s23;
	s24 =	sshrl.u32 s29, $0x7  }
0x19: {  	[tilespmem:s20+$0x1830 ss:$0x81] =	vst.msk $0xffff, v59;
	s23 =	ssub.s32 $0x400, s23;
	p2 =	sgt.s32 s28, $0x7F;
	s27 =	smul.u32 $0x186A0, s24  }
0x1a: {  	s30 =	sand.u32 $0x7, s11;
	[tilespmem:s20+$0x2040 ss:$0x81] =	vst.msk $0xffff, v60;
	s19 =	simm.s32 @p1 $0x0;
	s23 =	simm.s32 @p2 $0x0  }
0x1b: {  	[tilespmem:s20+$0x2850 ss:$0x81] =	vst.msk $0xffff, v61;
	s29 =	sshrl.u32 s22, $0x3;
	s19 =	smul.u32 s23, s19;
	s18 =	ssub.s32 s21, s27  }
0x1c: {  	[tilespmem:s20+$0x3060 ss:$0x81] =	vst.msk $0xffff, v62;
	s22 =	sshll.u32 s30, $0x12;
	s21 =	sadd.s32 s3, s29;
	s18 =	sshll.u32 s18, $0x7  }
0x1d: {  	[tilespmem:s20+$0x0 ss:$0x81] =	vst.msk $0xffff, v63;
	s31 =	sor.u32 $0x400, s22;
	s19 =	sand.u32 $0x3FFFFFFF, s19;
	s18 =	sadd.s32 s18, s21  }
0x1e: {  	[hbm4b:s18+s31] =	stream.strided.scatter [tilespmem:s17], [sflag:$0x2], s19, s9, s31, $0x20;
	[tilespmem:$0x10100] =	vst v63  }
.LBB1_5:
0x1f: {  	p1 =	slt.u32 s14, $0x2  }
0x20: {  	s18 =	smov.u32 s16;
	p2 =	sgt.s32 @!p1 s16, $0x18620;
	s17 =	sshra.s32 @!p1 s16, $0x1F  }
0x21: {  	p3 =	sgt.s32 @!p1 s15, $0x380;
	s19 =	sshra.s32 @!p1 s15, $0x1F;
	p2 =	por !p2, p1  }
0x22: {  	s16 =	sand.u32 @!p1 s17, s16;
	p3 =	por !p3, p1;
	s17 =	smov.u32 s15  }
0x23: {  	s15 =	sand.u32 @!p1 s19, s15;
	s18 =	simm.s32 @p2 $0x18620;
	s17 =	simm.s32 @p3 $0x380  }
0x24: {  	s16 =	ssub.s32 @!p1 s18, s16;
	s15 =	ssub.s32 @!p1 s17, s15  }
0x25: {  	s19 =	smov.u32 s13;
	s17 =	sadd.s32 @!p1 $0xFFFE79E0, s16;
	s18 =	sadd.s32 @!p1 $0xFFFFFC80, s15  }
0x26: {  	s16 =	ssub.s32 @!p1 $0x186A0, s16;
	p2 =	sgt.s32 @!p1 s17, $0x7F;
	p3 =	sgt.s32 @!p1 s18, $0x7F  }
0x27: {  	s15 =	ssub.s32 @!p1 $0x400, s15;
	p2 =	por !p2, p1;
	p3 =	por !p3, p1  }
0x28: {  	s17 =	sadd.s32 $0x200, s12;
	s16 =	simm.s32 @!p2 $0x0;
	s15 =	simm.s32 @!p3 $0x0  }
0x29: {  	p2 =	sgt.s32 s17, $0x1869F;
	s15 =	smul.u32 @!p1 s15, s16;
	s16 =	sadd.s32 $0x400, s13  }
0x2a: {  	s19 =	smov.u32 @p2 s16  }
0x2b: {  	s17 =	smov.u32 @p2 s4;
	p2 =	sgt.s32 s19, $0x3FF  }
0x2c: {  	s19 =	smov.u32 @p2 s1;
	p2 =	sne.s32 s14, s8  }
.Ltmp1:
0x2d: {  	p0 =	por !p0, !p0;
	s18 =	simm.s32 @!p1 $0x2;
	(pc) =	sbr.rel @!p2 .LBB1_6-.Ltmp1, $4  }
0x2e: {  	s16 =	smov.u32 s10;
	s10 =	smov.u32 s12;
	s15 =	sand.u32 @!p1 $0x3FFFFFFF, s15  }
0x2f: {  	s12 =	smov.u32 s17;
	_ =	swait.ge @!p1 [sflag:s18], s15;
	s20 =	ssub.s32 @!p1 $0x0, s15  }
0x30: {  	s15 =	smov.u32 s11;
	s14 =	sadd.s32 $0x1, s14;
	[sflag:s18] =	ssyncset.done @!p1 $0x0  }
0x31: {  	s11 =	smov.u32 s13;
	s13 =	smov.u32 s19;
	[sflag:s18] =	ssyncadd.s32 @!p1 s20  }
.LBB1_1:
0x32: {  	p1 =	sge.u32 s14, s6  }
0x33: {  	s17 =	sshrl.u32 @!p1 s13, $0x3  }
0x34: {  	s18 =	sshll.u32 @!p1 s12, $0x3;
	s17 =	smul.u32 @!p1 $0xC3800, s17  }
0x35: {  	s19 =	sshll.u32 @!p1 s13, $0x7;
	s18 =	sand.u32 @!p1 $0xFFFFFC00, s18  }
0x36: {  	s17 =	sadd.s32 @!p1 s17, s18;
	s18 =	sand.u32 @!p1 $0x380, s19  }
0x37: {  	s19 =	sand.u32 @!p1 $0x7F, s12;
	s17 =	sor.u32 @!p1 s18, s17  }
0x38: {  	s18 =	sor.u32 @!p1 s19, s17  }
0x39: {  	s19 =	smulhi.u32 @!p1 $0xA79C7B17, s18;
	_ =	sdelay $0x1  }
0x3a: {  	s17 =	smulhi.u32 @!p1 $0xA79C7B17, s17;
	s19 =	sshrl.u32 @!p1 s19, $0x10  }
0x3b: {  	s19 =	smul.u32 @!p1 $0x18700, s19  }
0x3c: {  	s31 =	sadd.s32 $0xFFFFFFFF, s14;
	s20 =	sxor.u32 @!p1 $0xFFFFFFFF, s14;
	s17 =	sshrl.u32 @!p1 s17, $0x10  }
0x3d: {  	s20 =	sshll.u32 @!p1 s20, $0xE;
	s17 =	sand.u32 @!p1 $0x3FF, s17;
	s18 =	ssub.s32 @!p1 s18, s19  }
0x3e: {  	s17 =	smul.u32 @!p1 $0x30E0, s17;
	s19 =	sshrl.u32 @!p1 s18, $0x3;
	s18 =	sand.u32 @!p1 $0x7, s18  }
0x3f: {  	s20 =	sand.u32 @!p1 $0x4000, s20;
	s19 =	sadd.s32 @!p1 s7, s19;
	s18 =	sshll.u32 @!p1 s18, $0x12  }
0x40: {  	s17 =	sadd.s32 @!p1 s17, s19;
	s18 =	sor.u32 @!p1 $0x400, s18;
	s19 =	simm.s32 @!p1 $0xC3800  }
0x41: {  	[tilespmem:s20], [sflag:$0x1] =	stream.strided.gather @!p1 [hbm4b:s17+s18], $0x4000, s19, s18, $0x38;
	[tilespmem:$0x10100] =	vst v63  }
0x42: {  	p1 =	sge.u32 s31, s6  }
.Ltmp2:
0x43: {  	_ = 	snop;
	(pc) =	sbr.rel @p1 .LBB1_5-.Ltmp2, $1  }
0x44: {  	_ =	sdelay $0x3  }
0x45: {  	s17 =	simm.s32 $0x1  }
0x46: {  	_ =	swait.ge [sflag:s5], $0x4000;
	s17 =	simm.s32 @!p0 $0x0  }
0x47: {  	[sflag:s5] =	ssyncset.done $0x0;
	s18 =	sshll.u32 s17, $0xE  }
0x48: {  	[sflag:s5] =	ssyncadd.s32 $0xFFFFC000;
	s18 =	sor.u32 $0x40, s18  }
0x49: {  	s17 =	smul.u32 $0x10200, s17;
	v0 =	vld [tilespmem:s18+$0x30]  }
0x4a: {  	v1 =	vld [tilespmem:s18+$0xFFFFFFD0]  }
0x4b: {  	s17 =	sshrl.u32 s17, $0x2;
	v5 =	vld [tilespmem:s18+$0xFFFFFFE0]  }
0x4c: {  	v6 =	vld [tilespmem:s18+$0xFFFFFFF0];
	s20 =	sor.u32 $0x8000, s17  }
0x4d: {  	s31 =	sand.u32 $0x1, s14;
	v4 =	vld [tilespmem:s18+$0x0];
	s19 =	sadd.s32 $0x0, s20  }
0x4e: {  	v3 =	vld [tilespmem:s18+$0x10];
	s17 =	smul.u32 $0x10200, s31;
	[tilespmem:s19+$0x3870 ss:$0x81] =	vst.msk $0xffff, v0  }
0x4f: {  	v2 =	vld [tilespmem:s18+$0x20];
	[tilespmem:s19+$0x810 ss:$0x81] =	vst.msk $0xffff, v1  }
0x50: {  	s17 =	sshrl.u32 s17, $0x2;
	v1 =	vld [tilespmem:s18+$0xFFFFFFC0];
	[tilespmem:s19+$0x1020 ss:$0x81] =	vst.msk $0xffff, v5;
	s18 =	sadd.s32 $0x80, s18  }
0x51: {  	s21 =	simm.s32 $0x4;
	s22 =	simm.s32 $0x8;
	s17 =	sor.u32 $0x8000, s17;
	[tilespmem:s19+$0x1830 ss:$0x81] =	vst.msk $0xffff, v6;
	v0 =	vld [tilespmem:s18+$0x30]  }
.LBB1_3:
0x52: {  	p1 =	sne.s32 s22, $0x1FC;
	v5 =	vld [tilespmem:s18+$0xFFFFFFD0];
	[tilespmem:s19+$0x2040 ss:$0x81] =	vst.msk $0xffff, v4  }
0x53: {  	v6 =	vld [tilespmem:s18+$0xFFFFFFE0];
	[tilespmem:s19+$0x2850 ss:$0x81] =	vst.msk $0xffff, v3  }
0x54: {  	s23 =	sshra.s32 s21, $0x2;
	s21 =	smov.u32 s22;
	v7 =	vld [tilespmem:s18+$0xFFFFFFF0];
	[tilespmem:s19+$0x3060 ss:$0x81] =	vst.msk $0xffff, v2  }
.Ltmp3:
0x55: {  	v4 =	vld [tilespmem:s18+$0x0];
	[tilespmem:s19+$0x0 ss:$0x81] =	vst.msk $0xffff, v1;
	s19 =	sadd.s32 s23, s20;
	(pc) =	sbr.rel @p1 .LBB1_3-.Ltmp3, $4  }
0x56: {  	v3 =	vld [tilespmem:s18+$0x10];
	[tilespmem:s19+$0x3870 ss:$0x81] =	vst.msk $0xffff, v0  }
0x57: {  	[tilespmem:s19+$0x810 ss:$0x81] =	vst.msk $0xffff, v5;
	v2 =	vld [tilespmem:s18+$0x20]  }
0x58: {  	v1 =	vld [tilespmem:s18+$0xFFFFFFC0];
	[tilespmem:s19+$0x1020 ss:$0x81] =	vst.msk $0xffff, v6;
	s18 =	sadd.s32 $0x80, s18  }
0x59: {  	s22 =	sadd.s32 $0x4, s22;
	v0 =	vld [tilespmem:s18+$0x30];
	[tilespmem:s19+$0x1830 ss:$0x81] =	vst.msk $0xffff, v7  }
.Ltmp4:
0x5a: {  	_ = 	snop;
	(pc) =	sbr.rel .LBB1_4-.Ltmp4, $1  }
0x5b: {  	_ =	sdelay $0x3  }
.LBB1_6:
0x5c: {  	_ =	sfence.sel $0x180000  }
0x5d: {  	s1 =	simm.s32 $0x1;
	[bflag:$0x0] =	sbarrier.arrive $0xFFFF  }
0x5e: {  	s31 =	simm.s32 $0x2;
	[sflag:s1] =	ssyncpa.u1 $0x1  }
0x5f: {  	[sflag:s31] =	ssyncpa.u1 $0x1  }
0x60: {  	p0 =	sne.s32 s0, $0x0;
	_ =	strace $0x9000004A  }
0x61: {  	s0 =	sadd.s32 @!p0 $0x100000, s2;
	[bflag:$0x2] =	sbarrier.arrive $0xFFFF  }
0x62: {  	[sflag:s0] =	ssyncadd.tile.s32 @!p0 $0x1;
	_ =	shalt  }
.Lfunc_end1:
_tile_overlayer_lowered:
.L_overlay_start_2:
0x63: {  	(tag) =	ssettag $0x2  }
0x64: {  	s0 =	rddreg [dreg:$0x0];
	s2 =	stileid.u32  }
0x65: {  	s1 =	rddreg [dreg:$0x1];
	p0 =	sne.s32 s2, $0x0  }
0x66: {  	s3 =	rddreg [dreg:$0x2];
	[bflag:$0x3] =	sbarrier.arrive $0xFFFF;
	s2 =	simm.s32 @!p0 $0x1C01  }
0x67: {  	[timem:s3], [sflag:s2] =	dma.local @!p0 [hbm:s0], s1  }
0x68: {  	s0 =	simm.s32 @!p0 $0x1  }
0x69: {  	_ =	swait.ge @!p0 [sflag:s0], s1  }
0x6a: {  	s1 =	ssub.s32 @!p0 $0x0, s1;
	[sflag:s0] =	ssyncset.done @!p0 $0x0  }
0x6b: {  	[sflag:s0] =	ssyncadd.s32 @!p0 s1  }
0x6c: {  	[bflag:$0x3] =	sbarrier.arrive $0xFFFF  }
0x6d: {  	_ =	shalt  }

</sc_bundles>
